<compile_context>
chip_gen: v7x
topology: tpu7x:2x2x1
jax: 0.10.2.dev20260603
libtpu: 0.0.44.dev20260713+nightly
codegen_flags: <defaults>
</compile_context>

<pallas_src>
import functools

import jax
import jax.numpy as jnp
from jax import lax
from jax.experimental import pallas as pl
from jax.experimental.pallas import tpu as pltpu
from jax.experimental.pallas import tpu_sc as plsc

_NC = 2
_NS = 16
_NW = _NC * _NS
_L = 16


@functools.lru_cache(maxsize=None)
def _sc_indicator(E: int, N: int, nc: int = _NC):
    nw = nc * _NS
    assert E % 128 == 0 and N % _L == 0
    chunk = ((E + nw - 1) // nw + 127) // 128 * 128
    assert chunk % _L == 0
    mesh = plsc.VectorSubcoreMesh(core_axis_name="c", subcore_axis_name="s",
                                  num_cores=nc)

    nchunk = ((N + _NS - 1) // _NS + 127) // 128 * 128
    n_pad = _NS * nchunk

    @functools.partial(
        pl.kernel,
        mesh=mesh,
        compiler_params=pltpu.CompilerParams(needs_layout_passes=False),
        out_type=jax.ShapeDtypeStruct((nc, n_pad), jnp.float32),
        scratch_types=[
            pltpu.VMEM((2, chunk), jnp.int32),
            pltpu.VMEM((n_pad,), jnp.float32),
            pltpu.VMEM((_NS, nchunk), jnp.float32),
            pltpu.VMEM((nchunk,), jnp.float32),
            pltpu.VMEM_SHARED((_NS, n_pad), jnp.float32),
        ],
    )
    def body(ei_hbm, zeros_hbm, out_hbm, idx_v, ind_v, blk_v, acc_v, shared):
        cid = lax.axis_index("c")
        sid = lax.axis_index("s")
        wid = sid * nc + cid
        ones = jnp.ones((_L,), jnp.float32)

        start = jnp.minimum(wid * chunk, E - chunk)

        pltpu.sync_copy(zeros_hbm, ind_v)
        pltpu.sync_copy(ei_hbm.at[:, pl.ds(start, chunk)], idx_v)

        def scat_body(g, carry):
            idx = idx_v[0, pl.ds(pl.multiple_of(g * _L, _L), _L)]
            plsc.store_scatter(ind_v, [idx], ones)
            return carry

        lax.fori_loop(0, chunk // _L, scat_body, 0, unroll=8)

        pltpu.sync_copy(ind_v, shared.at[sid])
        plsc.subcore_barrier()
        cs = sid * nchunk
        pltpu.sync_copy(shared.at[:, pl.ds(cs, nchunk)], blk_v)

        def merge_body(g, carry):
            o = pl.multiple_of(g * _L, _L)
            acc = blk_v[0, pl.ds(o, _L)]
            for t in range(1, _NS):
                acc = jnp.maximum(acc, blk_v[t, pl.ds(o, _L)])
            acc_v[pl.ds(o, _L)] = acc
            return carry

        lax.fori_loop(0, nchunk // _L, merge_body, 0, unroll=2)

        pltpu.sync_copy(acc_v, out_hbm.at[cid, pl.ds(cs, nchunk)])

    return body


_INV_SQRT2 = 0.7071067811865476


def _tc_dense_body(x_ref, w_ref, w1_ref, b1_ref, w2_ref, b2_ref, pw_ref):
    h = jnp.dot(x_ref[...], w_ref[...], preferred_element_type=jnp.float32)
    t = jnp.dot(h, w1_ref[...], preferred_element_type=jnp.float32)
    t = t + b1_ref[...]
    g = 0.5 * t * (1.0 + lax.erf(t * _INV_SQRT2))
    p = jnp.sum(g * w2_ref[...], axis=1, keepdims=True) + b2_ref[...]
    pw_ref[...] = 1.0 / (1.0 + jnp.exp(-p))


@functools.lru_cache(maxsize=None)
def _tc_dense(N: int, IN: int, OUT: int, HID: int, R: int):
    assert N % R == 0
    grid = (N // R,)
    return pl.pallas_call(
        _tc_dense_body,
        grid=grid,
        in_specs=[
            pl.BlockSpec((R, IN), lambda i: (i, 0)),
            pl.BlockSpec((IN, OUT), lambda i: (0, 0)),
            pl.BlockSpec((OUT, HID), lambda i: (0, 0)),
            pl.BlockSpec((1, HID), lambda i: (0, 0)),
            pl.BlockSpec((1, HID), lambda i: (0, 0)),
            pl.BlockSpec((1, 1), lambda i: (0, 0)),
        ],
        out_specs=pl.BlockSpec((R, 1), lambda i: (i, 0)),
        out_shape=jax.ShapeDtypeStruct((N, 1), jnp.float32),
        compiler_params=pltpu.CompilerParams(
            dimension_semantics=("parallel",)),
    )


def _tc_scale_body(x_ref, w_ref, pw_ref, bias_ref, ind_ref, out_ref):
    h = jnp.dot(x_ref[...], w_ref[...], preferred_element_type=jnp.float32)
    ind = jnp.max(ind_ref[...], axis=0, keepdims=True)
    indT = jnp.transpose(ind)
    scale = jnp.where(indT > 0.0, 1.0 + pw_ref[...], 0.0)
    out_ref[...] = h * scale + bias_ref[...]


@functools.lru_cache(maxsize=None)
def _tc_scale(N: int, IN: int, OUT: int, nc: int, R: int):
    grid = ((N + R - 1) // R,)
    return pl.pallas_call(
        _tc_scale_body,
        grid=grid,
        in_specs=[
            pl.BlockSpec((R, IN), lambda i: (i, 0)),
            pl.BlockSpec((IN, OUT), lambda i: (0, 0)),
            pl.BlockSpec((R, 1), lambda i: (i, 0)),
            pl.BlockSpec((1, OUT), lambda i: (0, 0)),
            pl.BlockSpec((nc, R), lambda i: (0, i)),
        ],
        out_specs=pl.BlockSpec((R, OUT), lambda i: (i, 0)),
        out_shape=jax.ShapeDtypeStruct((N, OUT), jnp.float32),
        compiler_params=pltpu.CompilerParams(
            dimension_semantics=("parallel",)),
    )


def kernel(x, edge_index, W, att, bias, pd_w1, pd_b1, pd_w2, pd_b2):
    del att
    N, IN = x.shape
    OUT = W.shape[1]
    HID = pd_w1.shape[1]
    E = edge_index.shape[1]

    n_pad = _NS * (((N + _NS - 1) // _NS + 127) // 128 * 128)
    ind2 = _sc_indicator(E, N)(edge_index, jnp.zeros((n_pad,), jnp.float32))

    pw = _tc_dense(N, IN, OUT, HID, 2000)(
        x, W, pd_w1,
        pd_b1.reshape(1, HID),
        pd_w2.reshape(1, HID),
        pd_b2.reshape(1, 1),
    )
    return _tc_scale(N, IN, OUT, _NC, 2048)(x, W, pw, bias.reshape(1, OUT),
                                            ind2)

# --- scband reference (transcript-rebuilt; emitter-appended) ---
"""Pipeline reference for scband-enhanced-stgraph-net-31361851195620 (READ-ONLY COPY).

The authoritative reference and input builder live on the scoring server;
editing this copy changes nothing except your own understanding.
"""

import jax, jax.numpy as jnp
import numpy as np

N = 10000
E = 320000
IN = 128
OUT = 128


def setup_inputs(seed: int = 0) -> dict:
    key = jax.random.key(seed)
    ks = jax.random.split(key, 10)
    x = jax.random.normal(ks[0], (N, IN), dtype=jnp.float32)
    edge_index = jax.random.randint(ks[1], (2, E), 0, N, dtype=jnp.int32)
    W = jax.random.normal(ks[2], (IN, OUT), dtype=jnp.float32) * (1.0 / np.sqrt(IN))
    att = jax.random.normal(ks[3], (1, 2 * OUT), dtype=jnp.float32) * 0.1
    bias = jnp.zeros((OUT,), dtype=jnp.float32)
    pd_w1 = jax.random.normal(ks[4], (OUT, OUT // 2), dtype=jnp.float32) * 0.1
    pd_b1 = jnp.zeros((OUT // 2,), dtype=jnp.float32)
    pd_w2 = jax.random.normal(ks[5], (OUT // 2, 1), dtype=jnp.float32) * 0.1
    pd_b2 = jnp.zeros((1,), dtype=jnp.float32)
    return {"x": x, "edge_index": edge_index, "W": W, "att": att, "bias": bias,
            "pd_w1": pd_w1, "pd_b1": pd_b1, "pd_w2": pd_w2, "pd_b2": pd_b2}


def reference(x, edge_index, W, att, bias, pd_w1, pd_b1, pd_w2, pd_b2):
    # PeakPreservingAttention forward (eval mode, dropout disabled)
    h = x @ W                                            # lin (no bias)
    pw = jax.nn.sigmoid(
        jax.nn.gelu(h @ pd_w1 + pd_b1, approximate=False) @ pd_w2 + pd_b2
    )                                                    # peak_detector, [N,1]
    row = edge_index[0]
    col = edge_index[1]
    src = h[row]                                         # gather [E,OUT]
    dst = h[col]                                         # gather [E,OUT]
    alpha = (jnp.concatenate([src, dst], axis=1) * att).sum(axis=-1)  # [E]
    alpha = jax.nn.leaky_relu(alpha, negative_slope=0.2)
    # segment softmax over source node index (torch_geometric softmax(alpha, row))
    seg_max = jax.ops.segment_max(alpha, row, num_segments=N)
    seg_max = jnp.where(jnp.isneginf(seg_max), 0.0, seg_max)
    ex = jnp.exp(alpha - seg_max[row])
    denom = jax.ops.segment_sum(ex, row, num_segments=N)
    alpha = ex / (denom[row] + 1e-16)
    # scatter-add aggregation: out.index_add_(0, row, src * alpha)
    out = jnp.zeros_like(h).at[row].add(src * alpha[:, None])
    out = out * (1.0 + pw)
    out = out + bias
    return out

if __name__ == "__main__":
    import jax
    _d = setup_inputs()
    print(jax.jit(kernel)(*tuple(_d.values())))

</pallas_src>

<mosaic_0001>
#map = affine_map<(d0, d1) -> (0, 0)>
#map1 = affine_map<(d0, d1) -> (0)>
module attributes {stable_mosaic.version = 14 : i64} {
  func.func @body(%arg0: i32, %arg1: i32, %arg2: memref<2x320000xi32, #tpu.memory_space<hbm>>, %arg3: memref<10240xf32, #tpu.memory_space<hbm>>, %arg4: memref<2x10240xf32, #tpu.memory_space<hbm>>, %arg5: memref<2x10112xi32, #tpu.memory_space<vmem>>, %arg6: memref<10240xf32, #tpu.memory_space<vmem>>, %arg7: memref<16x640xf32, #tpu.memory_space<vmem>>, %arg8: memref<640xf32, #tpu.memory_space<vmem>>, %arg9: memref<16x10240xf32, #tpu.memory_space<vmem_shared>>) attributes {dimension_semantics = [#tpu.dimension_semantics<core_parallel>, #tpu.dimension_semantics<subcore_parallel>], iteration_bounds = array<i64: 2, 16>, scalar_prefetch = 0 : i64, scratch_operands = 5 : i64, tpu.core_type = #tpu.core_type<sc_vector_subcore>, window_params = [{transform_indices = #map}, {transform_indices = #map1}, {transform_indices = #map}]} {
    %mul3A = arith.constant 2 : i32
    %mul3A_0 = arith.muli %arg1, %mul3A : i32
    %add3A = arith.addi %mul3A_0, %arg0 : i32
    %broadcast_in_dim3A = arith.constant 1.000000e+00 : f32
    %broadcast_in_dim3A_1 = vector.broadcast %broadcast_in_dim3A : f32 to vector<16xf32>
    %mul3A_2 = arith.constant 10112 : i32
    %mul3A_3 = arith.muli %add3A, %mul3A_2 : i32
    %min3A = arith.constant 309888 : i32
    %min3A_4 = arith.minsi %mul3A_3, %min3A : i32
    "tpu.region"() ({
      %run_scoped3A = tpu.sem_alloc : memref<!tpu.dma_semaphore, #tpu.memory_space<semaphore_mem>>
      tpu.enqueue_dma source(%arg3 : memref<10240xf32, #tpu.memory_space<hbm>>) target(%arg6 : memref<10240xf32, #tpu.memory_space<vmem>>) target_semaphore(%run_scoped3A : memref<!tpu.dma_semaphore, #tpu.memory_space<semaphore_mem>>)
      tpu.wait_dma2 semaphore(%run_scoped3A : memref<!tpu.dma_semaphore, #tpu.memory_space<semaphore_mem>>) src(%arg3 : memref<10240xf32, #tpu.memory_space<hbm>>) dst(%arg6 : memref<10240xf32, #tpu.memory_space<vmem>>)
      tpu.yield
    }) : () -> ()
    "tpu.region"() ({
      %run_scoped3A = tpu.sem_alloc : memref<!tpu.dma_semaphore, #tpu.memory_space<semaphore_mem>>
      %dma_start3A = arith.constant 0 : i32
      %dma_start3A_18 = tpu.memref_slice %arg2[%dma_start3A, %min3A_4] : memref<2x320000xi32, #tpu.memory_space<hbm>> -> memref<2x10112xi32, #tpu.memory_space<hbm>>
      %dma_start3A_19 = arith.constant 0 : i32
      %dma_start3A_20 = tpu.memref_slice %arg2[%dma_start3A_19, %min3A_4] : memref<2x320000xi32, #tpu.memory_space<hbm>> -> memref<2x10112xi32, #tpu.memory_space<hbm>>
      tpu.enqueue_dma source(%dma_start3A_20 : memref<2x10112xi32, #tpu.memory_space<hbm>>) target(%arg5 : memref<2x10112xi32, #tpu.memory_space<vmem>>) target_semaphore(%run_scoped3A : memref<!tpu.dma_semaphore, #tpu.memory_space<semaphore_mem>>)
      %dma_wait3A = arith.constant 0 : i32
      %dma_wait3A_21 = tpu.memref_slice %arg2[%dma_wait3A, %min3A_4] : memref<2x320000xi32, #tpu.memory_space<hbm>> -> memref<2x10112xi32, #tpu.memory_space<hbm>>
      %dma_wait3A_22 = arith.constant 0 : i32
      %dma_wait3A_23 = tpu.memref_slice %arg2[%dma_wait3A_22, %min3A_4] : memref<2x320000xi32, #tpu.memory_space<hbm>> -> memref<2x10112xi32, #tpu.memory_space<hbm>>
      tpu.wait_dma2 semaphore(%run_scoped3A : memref<!tpu.dma_semaphore, #tpu.memory_space<semaphore_mem>>) src(%dma_wait3A_23 : memref<2x10112xi32, #tpu.memory_space<hbm>>) dst(%arg5 : memref<2x10112xi32, #tpu.memory_space<vmem>>)
      tpu.yield
    }) : () -> ()
    %scan3A = arith.constant 0 : i32
    %scan3A_5 = arith.constant 0 : i32
    %scan3A_6 = arith.constant 632 : i32
    %scan3A_7 = arith.addi %scan3A_5, %scan3A_6 : i32
    %scan3A_8 = arith.constant 8 : i32
    scf.for %scan3A_18 = %scan3A_5 to %scan3A_7 step %scan3A_8  : i32 {
      %mul3A_19 = arith.constant 16 : i32
      %mul3A_20 = arith.muli %scan3A_18, %mul3A_19 : i32
      %multiple_of3A = tpu.assume_multiple %mul3A_20, 16 : i32
      %get3A = arith.constant 0 : i32
      %get3A_21 = arith.index_cast %get3A : i32 to index
      %get3A_22 = arith.index_cast %multiple_of3A : i32 to index
      %get3A_23 = tpu.vector_load %arg5[%get3A_21, %get3A_22] {strides = array<i32>} : memref<2x10112xi32, #tpu.memory_space<vmem>>, vector<16xi32>,
      tpu.vector_store_idx %arg6[%get3A_23], %broadcast_in_dim3A_1 : memref<10240xf32, #tpu.memory_space<vmem>>[vector<16xi32>], vector<16xf32>,
      %scan3A_24 = arith.constant 1 : i32
      %scan3A_25 = arith.addi %scan3A_18, %scan3A_24 : i32
      %mul3A_26 = arith.constant 16 : i32
      %mul3A_27 = arith.muli %scan3A_25, %mul3A_26 : i32
      %multiple_of3A_28 = tpu.assume_multiple %mul3A_27, 16 : i32
      %get3A_29 = arith.constant 0 : i32
      %get3A_30 = arith.index_cast %get3A_29 : i32 to index
      %get3A_31 = arith.index_cast %multiple_of3A_28 : i32 to index
      %get3A_32 = tpu.vector_load %arg5[%get3A_30, %get3A_31] {strides = array<i32>} : memref<2x10112xi32, #tpu.memory_space<vmem>>, vector<16xi32>,
      tpu.vector_store_idx %arg6[%get3A_32], %broadcast_in_dim3A_1 : memref<10240xf32, #tpu.memory_space<vmem>>[vector<16xi32>], vector<16xf32>,
      %scan3A_33 = arith.constant 2 : i32
      %scan3A_34 = arith.addi %scan3A_18, %scan3A_33 : i32
      %mul3A_35 = arith.constant 16 : i32
      %mul3A_36 = arith.muli %scan3A_34, %mul3A_35 : i32
      %multiple_of3A_37 = tpu.assume_multiple %mul3A_36, 16 : i32
      %get3A_38 = arith.constant 0 : i32
      %get3A_39 = arith.index_cast %get3A_38 : i32 to index
      %get3A_40 = arith.index_cast %multiple_of3A_37 : i32 to index
      %get3A_41 = tpu.vector_load %arg5[%get3A_39, %get3A_40] {strides = array<i32>} : memref<2x10112xi32, #tpu.memory_space<vmem>>, vector<16xi32>,
      tpu.vector_store_idx %arg6[%get3A_41], %broadcast_in_dim3A_1 : memref<10240xf32, #tpu.memory_space<vmem>>[vector<16xi32>], vector<16xf32>,
      %scan3A_42 = arith.constant 3 : i32
      %scan3A_43 = arith.addi %scan3A_18, %scan3A_42 : i32
      %mul3A_44 = arith.constant 16 : i32
      %mul3A_45 = arith.muli %scan3A_43, %mul3A_44 : i32
      %multiple_of3A_46 = tpu.assume_multiple %mul3A_45, 16 : i32
      %get3A_47 = arith.constant 0 : i32
      %get3A_48 = arith.index_cast %get3A_47 : i32 to index
      %get3A_49 = arith.index_cast %multiple_of3A_46 : i32 to index
      %get3A_50 = tpu.vector_load %arg5[%get3A_48, %get3A_49] {strides = array<i32>} : memref<2x10112xi32, #tpu.memory_space<vmem>>, vector<16xi32>,
      tpu.vector_store_idx %arg6[%get3A_50], %broadcast_in_dim3A_1 : memref<10240xf32, #tpu.memory_space<vmem>>[vector<16xi32>], vector<16xf32>,
      %scan3A_51 = arith.constant 4 : i32
      %scan3A_52 = arith.addi %scan3A_18, %scan3A_51 : i32
      %mul3A_53 = arith.constant 16 : i32
      %mul3A_54 = arith.muli %scan3A_52, %mul3A_53 : i32
      %multiple_of3A_55 = tpu.assume_multiple %mul3A_54, 16 : i32
      %get3A_56 = arith.constant 0 : i32
      %get3A_57 = arith.index_cast %get3A_56 : i32 to index
      %get3A_58 = arith.index_cast %multiple_of3A_55 : i32 to index
      %get3A_59 = tpu.vector_load %arg5[%get3A_57, %get3A_58] {strides = array<i32>} : memref<2x10112xi32, #tpu.memory_space<vmem>>, vector<16xi32>,
      tpu.vector_store_idx %arg6[%get3A_59], %broadcast_in_dim3A_1 : memref<10240xf32, #tpu.memory_space<vmem>>[vector<16xi32>], vector<16xf32>,
      %scan3A_60 = arith.constant 5 : i32
      %scan3A_61 = arith.addi %scan3A_18, %scan3A_60 : i32
      %mul3A_62 = arith.constant 16 : i32
      %mul3A_63 = arith.muli %scan3A_61, %mul3A_62 : i32
      %multiple_of3A_64 = tpu.assume_multiple %mul3A_63, 16 : i32
      %get3A_65 = arith.constant 0 : i32
      %get3A_66 = arith.index_cast %get3A_65 : i32 to index
      %get3A_67 = arith.index_cast %multiple_of3A_64 : i32 to index
      %get3A_68 = tpu.vector_load %arg5[%get3A_66, %get3A_67] {strides = array<i32>} : memref<2x10112xi32, #tpu.memory_space<vmem>>, vector<16xi32>,
      tpu.vector_store_idx %arg6[%get3A_68], %broadcast_in_dim3A_1 : memref<10240xf32, #tpu.memory_space<vmem>>[vector<16xi32>], vector<16xf32>,
      %scan3A_69 = arith.constant 6 : i32
      %scan3A_70 = arith.addi %scan3A_18, %scan3A_69 : i32
      %mul3A_71 = arith.constant 16 : i32
      %mul3A_72 = arith.muli %scan3A_70, %mul3A_71 : i32
      %multiple_of3A_73 = tpu.assume_multiple %mul3A_72, 16 : i32
      %get3A_74 = arith.constant 0 : i32
      %get3A_75 = arith.index_cast %get3A_74 : i32 to index
      %get3A_76 = arith.index_cast %multiple_of3A_73 : i32 to index
      %get3A_77 = tpu.vector_load %arg5[%get3A_75, %get3A_76] {strides = array<i32>} : memref<2x10112xi32, #tpu.memory_space<vmem>>, vector<16xi32>,
      tpu.vector_store_idx %arg6[%get3A_77], %broadcast_in_dim3A_1 : memref<10240xf32, #tpu.memory_space<vmem>>[vector<16xi32>], vector<16xf32>,
      %scan3A_78 = arith.constant 7 : i32
      %scan3A_79 = arith.addi %scan3A_18, %scan3A_78 : i32
      %mul3A_80 = arith.constant 16 : i32
      %mul3A_81 = arith.muli %scan3A_79, %mul3A_80 : i32
      %multiple_of3A_82 = tpu.assume_multiple %mul3A_81, 16 : i32
      %get3A_83 = arith.constant 0 : i32
      %get3A_84 = arith.index_cast %get3A_83 : i32 to index
      %get3A_85 = arith.index_cast %multiple_of3A_82 : i32 to index
      %get3A_86 = tpu.vector_load %arg5[%get3A_84, %get3A_85] {strides = array<i32>} : memref<2x10112xi32, #tpu.memory_space<vmem>>, vector<16xi32>,
      tpu.vector_store_idx %arg6[%get3A_86], %broadcast_in_dim3A_1 : memref<10240xf32, #tpu.memory_space<vmem>>[vector<16xi32>], vector<16xf32>,
    }
    %scan3A_9 = arith.constant 632 : i32
    "tpu.region"() ({
      %run_scoped3A = tpu.sem_alloc : memref<!tpu.dma_semaphore, #tpu.memory_space<semaphore_mem>>
      %dma_start3A = arith.constant 0 : i32
      %dma_start3A_18 = tpu.memref_slice %arg9[%arg1, %dma_start3A] : memref<16x10240xf32, #tpu.memory_space<vmem_shared>> -> memref<1x10240xf32, #tpu.memory_space<vmem_shared>>
      %dma_start3A_19 = tpu.memref_squeeze %dma_start3A_18 : memref<1x10240xf32, #tpu.memory_space<vmem_shared>> -> memref<10240xf32, #tpu.memory_space<vmem_shared>>
      %dma_start3A_20 = arith.constant 0 : i32
      %dma_start3A_21 = tpu.memref_slice %arg9[%arg1, %dma_start3A_20] : memref<16x10240xf32, #tpu.memory_space<vmem_shared>> -> memref<1x10240xf32, #tpu.memory_space<vmem_shared>>
      %dma_start3A_22 = tpu.memref_squeeze %dma_start3A_21 : memref<1x10240xf32, #tpu.memory_space<vmem_shared>> -> memref<10240xf32, #tpu.memory_space<vmem_shared>>
      tpu.enqueue_dma source(%arg6 : memref<10240xf32, #tpu.memory_space<vmem>>) target(%dma_start3A_22 : memref<10240xf32, #tpu.memory_space<vmem_shared>>) target_semaphore(%run_scoped3A : memref<!tpu.dma_semaphore, #tpu.memory_space<semaphore_mem>>)
      %dma_wait3A = arith.constant 0 : i32
      %dma_wait3A_23 = tpu.memref_slice %arg9[%arg1, %dma_wait3A] : memref<16x10240xf32, #tpu.memory_space<vmem_shared>> -> memref<1x10240xf32, #tpu.memory_space<vmem_shared>>
      %dma_wait3A_24 = tpu.memref_squeeze %dma_wait3A_23 : memref<1x10240xf32, #tpu.memory_space<vmem_shared>> -> memref<10240xf32, #tpu.memory_space<vmem_shared>>
      %dma_wait3A_25 = arith.constant 0 : i32
      %dma_wait3A_26 = tpu.memref_slice %arg9[%arg1, %dma_wait3A_25] : memref<16x10240xf32, #tpu.memory_space<vmem_shared>> -> memref<1x10240xf32, #tpu.memory_space<vmem_shared>>
      %dma_wait3A_27 = tpu.memref_squeeze %dma_wait3A_26 : memref<1x10240xf32, #tpu.memory_space<vmem_shared>> -> memref<10240xf32, #tpu.memory_space<vmem_shared>>
      tpu.wait_dma2 semaphore(%run_scoped3A : memref<!tpu.dma_semaphore, #tpu.memory_space<semaphore_mem>>) src(%arg6 : memref<10240xf32, #tpu.memory_space<vmem>>) dst(%dma_wait3A_27 : memref<10240xf32, #tpu.memory_space<vmem_shared>>)
      tpu.yield
    }) : () -> ()
    %barrier3A = arith.constant 0 : index
    tpu.barrier barrier_id(%barrier3A)
    %mul3A_10 = arith.constant 640 : i32
    %mul3A_11 = arith.muli %arg1, %mul3A_10 : i32
    "tpu.region"() ({
      %run_scoped3A = tpu.sem_alloc : memref<!tpu.dma_semaphore, #tpu.memory_space<semaphore_mem>>
      %dma_start3A = arith.constant 0 : i32
      %dma_start3A_18 = tpu.memref_slice %arg9[%dma_start3A, %mul3A_11] : memref<16x10240xf32, #tpu.memory_space<vmem_shared>> -> memref<16x640xf32, #tpu.memory_space<vmem_shared>>
      %dma_start3A_19 = arith.constant 0 : i32
      %dma_start3A_20 = tpu.memref_slice %arg9[%dma_start3A_19, %mul3A_11] : memref<16x10240xf32, #tpu.memory_space<vmem_shared>> -> memref<16x640xf32, #tpu.memory_space<vmem_shared>>
      tpu.enqueue_dma source(%dma_start3A_20 : memref<16x640xf32, #tpu.memory_space<vmem_shared>>) target(%arg7 : memref<16x640xf32, #tpu.memory_space<vmem>>) target_semaphore(%run_scoped3A : memref<!tpu.dma_semaphore, #tpu.memory_space<semaphore_mem>>)
      %dma_wait3A = arith.constant 0 : i32
      %dma_wait3A_21 = tpu.memref_slice %arg9[%dma_wait3A, %mul3A_11] : memref<16x10240xf32, #tpu.memory_space<vmem_shared>> -> memref<16x640xf32, #tpu.memory_space<vmem_shared>>
      %dma_wait3A_22 = arith.constant 0 : i32
      %dma_wait3A_23 = tpu.memref_slice %arg9[%dma_wait3A_22, %mul3A_11] : memref<16x10240xf32, #tpu.memory_space<vmem_shared>> -> memref<16x640xf32, #tpu.memory_space<vmem_shared>>
      tpu.wait_dma2 semaphore(%run_scoped3A : memref<!tpu.dma_semaphore, #tpu.memory_space<semaphore_mem>>) src(%dma_wait3A_23 : memref<16x640xf32, #tpu.memory_space<vmem_shared>>) dst(%arg7 : memref<16x640xf32, #tpu.memory_space<vmem>>)
      tpu.yield
    }) : () -> ()
    %scan3A_12 = arith.constant 0 : i32
    %scan3A_13 = arith.constant 0 : i32
    %scan3A_14 = arith.constant 40 : i32
    %scan3A_15 = arith.addi %scan3A_13, %scan3A_14 : i32
    %scan3A_16 = arith.constant 2 : i32
    scf.for %scan3A_18 = %scan3A_13 to %scan3A_15 step %scan3A_16  : i32 {
      %mul3A_19 = arith.constant 16 : i32
      %mul3A_20 = arith.muli %scan3A_18, %mul3A_19 : i32
      %multiple_of3A = tpu.assume_multiple %mul3A_20, 16 : i32
      %get3A = arith.constant 0 : i32
      %get3A_21 = arith.index_cast %get3A : i32 to index
      %get3A_22 = arith.index_cast %multiple_of3A : i32 to index
      %get3A_23 = tpu.vector_load %arg7[%get3A_21, %get3A_22] {strides = array<i32>} : memref<16x640xf32, #tpu.memory_space<vmem>>, vector<16xf32>,
      %get3A_24 = arith.constant 1 : i32
      %get3A_25 = arith.index_cast %get3A_24 : i32 to index
      %get3A_26 = arith.index_cast %multiple_of3A : i32 to index
      %get3A_27 = tpu.vector_load %arg7[%get3A_25, %get3A_26] {strides = array<i32>} : memref<16x640xf32, #tpu.memory_space<vmem>>, vector<16xf32>,
      %max3A = arith.maximumf %get3A_23, %get3A_27 : vector<16xf32>
      %get3A_28 = arith.constant 2 : i32
      %get3A_29 = arith.index_cast %get3A_28 : i32 to index
      %get3A_30 = arith.index_cast %multiple_of3A : i32 to index
      %get3A_31 = tpu.vector_load %arg7[%get3A_29, %get3A_30] {strides = array<i32>} : memref<16x640xf32, #tpu.memory_space<vmem>>, vector<16xf32>,
      %max3A_32 = arith.maximumf %max3A, %get3A_31 : vector<16xf32>
      %get3A_33 = arith.constant 3 : i32
      %get3A_34 = arith.index_cast %get3A_33 : i32 to index
      %get3A_35 = arith.index_cast %multiple_of3A : i32 to index
      %get3A_36 = tpu.vector_load %arg7[%get3A_34, %get3A_35] {strides = array<i32>} : memref<16x640xf32, #tpu.memory_space<vmem>>, vector<16xf32>,
      %max3A_37 = arith.maximumf %max3A_32, %get3A_36 : vector<16xf32>
      %get3A_38 = arith.constant 4 : i32
      %get3A_39 = arith.index_cast %get3A_38 : i32 to index
      %get3A_40 = arith.index_cast %multiple_of3A : i32 to index
      %get3A_41 = tpu.vector_load %arg7[%get3A_39, %get3A_40] {strides = array<i32>} : memref<16x640xf32, #tpu.memory_space<vmem>>, vector<16xf32>,
      %max3A_42 = arith.maximumf %max3A_37, %get3A_41 : vector<16xf32>
      %get3A_43 = arith.constant 5 : i32
      %get3A_44 = arith.index_cast %get3A_43 : i32 to index
      %get3A_45 = arith.index_cast %multiple_of3A : i32 to index
      %get3A_46 = tpu.vector_load %arg7[%get3A_44, %get3A_45] {strides = array<i32>} : memref<16x640xf32, #tpu.memory_space<vmem>>, vector<16xf32>,
      %max3A_47 = arith.maximumf %max3A_42, %get3A_46 : vector<16xf32>
      %get3A_48 = arith.constant 6 : i32
      %get3A_49 = arith.index_cast %get3A_48 : i32 to index
      %get3A_50 = arith.index_cast %multiple_of3A : i32 to index
      %get3A_51 = tpu.vector_load %arg7[%get3A_49, %get3A_50] {strides = array<i32>} : memref<16x640xf32, #tpu.memory_space<vmem>>, vector<16xf32>,
      %max3A_52 = arith.maximumf %max3A_47, %get3A_51 : vector<16xf32>
      %get3A_53 = arith.constant 7 : i32
      %get3A_54 = arith.index_cast %get3A_53 : i32 to index
      %get3A_55 = arith.index_cast %multiple_of3A : i32 to index
      %get3A_56 = tpu.vector_load %arg7[%get3A_54, %get3A_55] {strides = array<i32>} : memref<16x640xf32, #tpu.memory_space<vmem>>, vector<16xf32>,
      %max3A_57 = arith.maximumf %max3A_52, %get3A_56 : vector<16xf32>
      %get3A_58 = arith.constant 8 : i32
      %get3A_59 = arith.index_cast %get3A_58 : i32 to index
      %get3A_60 = arith.index_cast %multiple_of3A : i32 to index
      %get3A_61 = tpu.vector_load %arg7[%get3A_59, %get3A_60] {strides = array<i32>} : memref<16x640xf32, #tpu.memory_space<vmem>>, vector<16xf32>,
      %max3A_62 = arith.maximumf %max3A_57, %get3A_61 : vector<16xf32>
      %get3A_63 = arith.constant 9 : i32
      %get3A_64 = arith.index_cast %get3A_63 : i32 to index
      %get3A_65 = arith.index_cast %multiple_of3A : i32 to index
      %get3A_66 = tpu.vector_load %arg7[%get3A_64, %get3A_65] {strides = array<i32>} : memref<16x640xf32, #tpu.memory_space<vmem>>, vector<16xf32>,
      %max3A_67 = arith.maximumf %max3A_62, %get3A_66 : vector<16xf32>
      %get3A_68 = arith.constant 10 : i32
      %get3A_69 = arith.index_cast %get3A_68 : i32 to index
      %get3A_70 = arith.index_cast %multiple_of3A : i32 to index
      %get3A_71 = tpu.vector_load %arg7[%get3A_69, %get3A_70] {strides = array<i32>} : memref<16x640xf32, #tpu.memory_space<vmem>>, vector<16xf32>,
      %max3A_72 = arith.maximumf %max3A_67, %get3A_71 : vector<16xf32>
      %get3A_73 = arith.constant 11 : i32
      %get3A_74 = arith.index_cast %get3A_73 : i32 to index
      %get3A_75 = arith.index_cast %multiple_of3A : i32 to index
      %get3A_76 = tpu.vector_load %arg7[%get3A_74, %get3A_75] {strides = array<i32>} : memref<16x640xf32, #tpu.memory_space<vmem>>, vector<16xf32>,
      %max3A_77 = arith.maximumf %max3A_72, %get3A_76 : vector<16xf32>
      %get3A_78 = arith.constant 12 : i32
      %get3A_79 = arith.index_cast %get3A_78 : i32 to index
      %get3A_80 = arith.index_cast %multiple_of3A : i32 to index
      %get3A_81 = tpu.vector_load %arg7[%get3A_79, %get3A_80] {strides = array<i32>} : memref<16x640xf32, #tpu.memory_space<vmem>>, vector<16xf32>,
      %max3A_82 = arith.maximumf %max3A_77, %get3A_81 : vector<16xf32>
      %get3A_83 = arith.constant 13 : i32
      %get3A_84 = arith.index_cast %get3A_83 : i32 to index
      %get3A_85 = arith.index_cast %multiple_of3A : i32 to index
      %get3A_86 = tpu.vector_load %arg7[%get3A_84, %get3A_85] {strides = array<i32>} : memref<16x640xf32, #tpu.memory_space<vmem>>, vector<16xf32>,
      %max3A_87 = arith.maximumf %max3A_82, %get3A_86 : vector<16xf32>
      %get3A_88 = arith.constant 14 : i32
      %get3A_89 = arith.index_cast %get3A_88 : i32 to index
      %get3A_90 = arith.index_cast %multiple_of3A : i32 to index
      %get3A_91 = tpu.vector_load %arg7[%get3A_89, %get3A_90] {strides = array<i32>} : memref<16x640xf32, #tpu.memory_space<vmem>>, vector<16xf32>,
      %max3A_92 = arith.maximumf %max3A_87, %get3A_91 : vector<16xf32>
      %get3A_93 = arith.constant 15 : i32
      %get3A_94 = arith.index_cast %get3A_93 : i32 to index
      %get3A_95 = arith.index_cast %multiple_of3A : i32 to index
      %get3A_96 = tpu.vector_load %arg7[%get3A_94, %get3A_95] {strides = array<i32>} : memref<16x640xf32, #tpu.memory_space<vmem>>, vector<16xf32>,
      %max3A_97 = arith.maximumf %max3A_92, %get3A_96 : vector<16xf32>
      %swap3A = arith.index_cast %multiple_of3A : i32 to index
      %swap3A_98 = tpu.vector_load %arg8[%swap3A] {strides = array<i32>} : memref<640xf32, #tpu.memory_space<vmem>>, vector<16xf32>,
      tpu.vector_store %arg8[%swap3A], %max3A_97 {strides = array<i32>} : memref<640xf32, #tpu.memory_space<vmem>>, vector<16xf32>,
      %scan3A_99 = arith.constant 1 : i32
      %scan3A_100 = arith.addi %scan3A_18, %scan3A_99 : i32
      %mul3A_101 = arith.constant 16 : i32
      %mul3A_102 = arith.muli %scan3A_100, %mul3A_101 : i32
      %multiple_of3A_103 = tpu.assume_multiple %mul3A_102, 16 : i32
      %get3A_104 = arith.constant 0 : i32
      %get3A_105 = arith.index_cast %get3A_104 : i32 to index
      %get3A_106 = arith.index_cast %multiple_of3A_103 : i32 to index
      %get3A_107 = tpu.vector_load %arg7[%get3A_105, %get3A_106] {strides = array<i32>} : memref<16x640xf32, #tpu.memory_space<vmem>>, vector<16xf32>,
      %get3A_108 = arith.constant 1 : i32
      %get3A_109 = arith.index_cast %get3A_108 : i32 to index
      %get3A_110 = arith.index_cast %multiple_of3A_103 : i32 to index
      %get3A_111 = tpu.vector_load %arg7[%get3A_109, %get3A_110] {strides = array<i32>} : memref<16x640xf32, #tpu.memory_space<vmem>>, vector<16xf32>,
      %max3A_112 = arith.maximumf %get3A_107, %get3A_111 : vector<16xf32>
      %get3A_113 = arith.constant 2 : i32
      %get3A_114 = arith.index_cast %get3A_113 : i32 to index
      %get3A_115 = arith.index_cast %multiple_of3A_103 : i32 to index
      %get3A_116 = tpu.vector_load %arg7[%get3A_114, %get3A_115] {strides = array<i32>} : memref<16x640xf32, #tpu.memory_space<vmem>>, vector<16xf32>,
      %max3A_117 = arith.maximumf %max3A_112, %get3A_116 : vector<16xf32>
      %get3A_118 = arith.constant 3 : i32
      %get3A_119 = arith.index_cast %get3A_118 : i32 to index
      %get3A_120 = arith.index_cast %multiple_of3A_103 : i32 to index
      %get3A_121 = tpu.vector_load %arg7[%get3A_119, %get3A_120] {strides = array<i32>} : memref<16x640xf32, #tpu.memory_space<vmem>>, vector<16xf32>,
      %max3A_122 = arith.maximumf %max3A_117, %get3A_121 : vector<16xf32>
      %get3A_123 = arith.constant 4 : i32
      %get3A_124 = arith.index_cast %get3A_123 : i32 to index
      %get3A_125 = arith.index_cast %multiple_of3A_103 : i32 to index
      %get3A_126 = tpu.vector_load %arg7[%get3A_124, %get3A_125] {strides = array<i32>} : memref<16x640xf32, #tpu.memory_space<vmem>>, vector<16xf32>,
      %max3A_127 = arith.maximumf %max3A_122, %get3A_126 : vector<16xf32>
      %get3A_128 = arith.constant 5 : i32
      %get3A_129 = arith.index_cast %get3A_128 : i32 to index
      %get3A_130 = arith.index_cast %multiple_of3A_103 : i32 to index
      %get3A_131 = tpu.vector_load %arg7[%get3A_129, %get3A_130] {strides = array<i32>} : memref<16x640xf32, #tpu.memory_space<vmem>>, vector<16xf32>,
      %max3A_132 = arith.maximumf %max3A_127, %get3A_131 : vector<16xf32>
      %get3A_133 = arith.constant 6 : i32
      %get3A_134 = arith.index_cast %get3A_133 : i32 to index
      %get3A_135 = arith.index_cast %multiple_of3A_103 : i32 to index
      %get3A_136 = tpu.vector_load %arg7[%get3A_134, %get3A_135] {strides = array<i32>} : memref<16x640xf32, #tpu.memory_space<vmem>>, vector<16xf32>,
      %max3A_137 = arith.maximumf %max3A_132, %get3A_136 : vector<16xf32>
      %get3A_138 = arith.constant 7 : i32
      %get3A_139 = arith.index_cast %get3A_138 : i32 to index
      %get3A_140 = arith.index_cast %multiple_of3A_103 : i32 to index
      %get3A_141 = tpu.vector_load %arg7[%get3A_139, %get3A_140] {strides = array<i32>} : memref<16x640xf32, #tpu.memory_space<vmem>>, vector<16xf32>,
      %max3A_142 = arith.maximumf %max3A_137, %get3A_141 : vector<16xf32>
      %get3A_143 = arith.constant 8 : i32
      %get3A_144 = arith.index_cast %get3A_143 : i32 to index
      %get3A_145 = arith.index_cast %multiple_of3A_103 : i32 to index
      %get3A_146 = tpu.vector_load %arg7[%get3A_144, %get3A_145] {strides = array<i32>} : memref<16x640xf32, #tpu.memory_space<vmem>>, vector<16xf32>,
      %max3A_147 = arith.maximumf %max3A_142, %get3A_146 : vector<16xf32>
      %get3A_148 = arith.constant 9 : i32
      %get3A_149 = arith.index_cast %get3A_148 : i32 to index
      %get3A_150 = arith.index_cast %multiple_of3A_103 : i32 to index
      %get3A_151 = tpu.vector_load %arg7[%get3A_149, %get3A_150] {strides = array<i32>} : memref<16x640xf32, #tpu.memory_space<vmem>>, vector<16xf32>,
      %max3A_152 = arith.maximumf %max3A_147, %get3A_151 : vector<16xf32>
      %get3A_153 = arith.constant 10 : i32
      %get3A_154 = arith.index_cast %get3A_153 : i32 to index
      %get3A_155 = arith.index_cast %multiple_of3A_103 : i32 to index
      %get3A_156 = tpu.vector_load %arg7[%get3A_154, %get3A_155] {strides = array<i32>} : memref<16x640xf32, #tpu.memory_space<vmem>>, vector<16xf32>,
      %max3A_157 = arith.maximumf %max3A_152, %get3A_156 : vector<16xf32>
      %get3A_158 = arith.constant 11 : i32
      %get3A_159 = arith.index_cast %get3A_158 : i32 to index
      %get3A_160 = arith.index_cast %multiple_of3A_103 : i32 to index
      %get3A_161 = tpu.vector_load %arg7[%get3A_159, %get3A_160] {strides = array<i32>} : memref<16x640xf32, #tpu.memory_space<vmem>>, vector<16xf32>,
      %max3A_162 = arith.maximumf %max3A_157, %get3A_161 : vector<16xf32>
      %get3A_163 = arith.constant 12 : i32
      %get3A_164 = arith.index_cast %get3A_163 : i32 to index
      %get3A_165 = arith.index_cast %multiple_of3A_103 : i32 to index
      %get3A_166 = tpu.vector_load %arg7[%get3A_164, %get3A_165] {strides = array<i32>} : memref<16x640xf32, #tpu.memory_space<vmem>>, vector<16xf32>,
      %max3A_167 = arith.maximumf %max3A_162, %get3A_166 : vector<16xf32>
      %get3A_168 = arith.constant 13 : i32
      %get3A_169 = arith.index_cast %get3A_168 : i32 to index
      %get3A_170 = arith.index_cast %multiple_of3A_103 : i32 to index
      %get3A_171 = tpu.vector_load %arg7[%get3A_169, %get3A_170] {strides = array<i32>} : memref<16x640xf32, #tpu.memory_space<vmem>>, vector<16xf32>,
      %max3A_172 = arith.maximumf %max3A_167, %get3A_171 : vector<16xf32>
      %get3A_173 = arith.constant 14 : i32
      %get3A_174 = arith.index_cast %get3A_173 : i32 to index
      %get3A_175 = arith.index_cast %multiple_of3A_103 : i32 to index
      %get3A_176 = tpu.vector_load %arg7[%get3A_174, %get3A_175] {strides = array<i32>} : memref<16x640xf32, #tpu.memory_space<vmem>>, vector<16xf32>,
      %max3A_177 = arith.maximumf %max3A_172, %get3A_176 : vector<16xf32>
      %get3A_178 = arith.constant 15 : i32
      %get3A_179 = arith.index_cast %get3A_178 : i32 to index
      %get3A_180 = arith.index_cast %multiple_of3A_103 : i32 to index
      %get3A_181 = tpu.vector_load %arg7[%get3A_179, %get3A_180] {strides = array<i32>} : memref<16x640xf32, #tpu.memory_space<vmem>>, vector<16xf32>,
      %max3A_182 = arith.maximumf %max3A_177, %get3A_181 : vector<16xf32>
      %swap3A_183 = arith.index_cast %multiple_of3A_103 : i32 to index
      %swap3A_184 = tpu.vector_load %arg8[%swap3A_183] {strides = array<i32>} : memref<640xf32, #tpu.memory_space<vmem>>, vector<16xf32>,
      tpu.vector_store %arg8[%swap3A_183], %max3A_182 {strides = array<i32>} : memref<640xf32, #tpu.memory_space<vmem>>, vector<16xf32>,
    }
    %scan3A_17 = arith.constant 40 : i32
    "tpu.region"() ({
      %run_scoped3A = tpu.sem_alloc : memref<!tpu.dma_semaphore, #tpu.memory_space<semaphore_mem>>
      %dma_start3A = tpu.memref_slice %arg4[%arg0, %mul3A_11] : memref<2x10240xf32, #tpu.memory_space<hbm>> -> memref<1x640xf32, #tpu.memory_space<hbm>>
      %dma_start3A_18 = tpu.memref_squeeze %dma_start3A : memref<1x640xf32, #tpu.memory_space<hbm>> -> memref<640xf32, #tpu.memory_space<hbm>>
      %dma_start3A_19 = tpu.memref_slice %arg4[%arg0, %mul3A_11] : memref<2x10240xf32, #tpu.memory_space<hbm>> -> memref<1x640xf32, #tpu.memory_space<hbm>>
      %dma_start3A_20 = tpu.memref_squeeze %dma_start3A_19 : memref<1x640xf32, #tpu.memory_space<hbm>> -> memref<640xf32, #tpu.memory_space<hbm>>
      tpu.enqueue_dma source(%arg8 : memref<640xf32, #tpu.memory_space<vmem>>) target(%dma_start3A_20 : memref<640xf32, #tpu.memory_space<hbm>>) target_semaphore(%run_scoped3A : memref<!tpu.dma_semaphore, #tpu.memory_space<semaphore_mem>>)
      %dma_wait3A = tpu.memref_slice %arg4[%arg0, %mul3A_11] : memref<2x10240xf32, #tpu.memory_space<hbm>> -> memref<1x640xf32, #tpu.memory_space<hbm>>
      %dma_wait3A_21 = tpu.memref_squeeze %dma_wait3A : memref<1x640xf32, #tpu.memory_space<hbm>> -> memref<640xf32, #tpu.memory_space<hbm>>
      %dma_wait3A_22 = tpu.memref_slice %arg4[%arg0, %mul3A_11] : memref<2x10240xf32, #tpu.memory_space<hbm>> -> memref<1x640xf32, #tpu.memory_space<hbm>>
      %dma_wait3A_23 = tpu.memref_squeeze %dma_wait3A_22 : memref<1x640xf32, #tpu.memory_space<hbm>> -> memref<640xf32, #tpu.memory_space<hbm>>
      tpu.wait_dma2 semaphore(%run_scoped3A : memref<!tpu.dma_semaphore, #tpu.memory_space<semaphore_mem>>) src(%arg8 : memref<640xf32, #tpu.memory_space<vmem>>) dst(%dma_wait3A_23 : memref<640xf32, #tpu.memory_space<hbm>>)
      tpu.yield
    }) : () -> ()
    return
  }
}

module attributes {stable_mosaic.version = 14 : i64} {
  func.func @_tc_dense_body(%arg0: i32, %arg1: memref<2000x128xf32, #tpu.memory_space<vmem>>, %arg2: memref<128x128xf32, #tpu.memory_space<vmem>>, %arg3: memref<128x64xf32, #tpu.memory_space<vmem>>, %arg4: memref<1x64xf32, #tpu.memory_space<vmem>>, %arg5: memref<1x64xf32, #tpu.memory_space<vmem>>, %arg6: memref<1x1xf32, #tpu.memory_space<vmem>>, %arg7: memref<2000x1xf32, #tpu.memory_space<vmem>>) attributes {dimension_semantics = [#tpu.dimension_semantics<parallel>], iteration_bounds = array<i64: 5>, scalar_prefetch = 0 : i64, scratch_operands = 0 : i64, tpu.core_type = #tpu.core_type<tc>, window_params = [{transform_indices = @transform_0, window_bounds = array<i64: 2000, 128>}, {pipeline_mode = #tpu.pipeline_mode<synchronous>, transform_indices = @transform_1, window_bounds = array<i64: 128, 128>}, {pipeline_mode = #tpu.pipeline_mode<synchronous>, transform_indices = @transform_2, window_bounds = array<i64: 128, 64>}, {pipeline_mode = #tpu.pipeline_mode<synchronous>, transform_indices = @transform_3, window_bounds = array<i64: 1, 64>}, {pipeline_mode = #tpu.pipeline_mode<synchronous>, transform_indices = @transform_4, window_bounds = array<i64: 1, 64>}, {pipeline_mode = #tpu.pipeline_mode<synchronous>, transform_indices = @transform_5, window_bounds = array<i64: 1, 1>}, {transform_indices = @transform_6, window_bounds = array<i64: 2000, 1>}]} {
    %get3A = arith.constant 0 : index
    %get3A_0 = arith.constant 0 : index
    %get3A_1 = vector.load %arg1[%get3A, %get3A_0] : memref<2000x128xf32, #tpu.memory_space<vmem>>, vector<2000x128xf32>
    %get3A_2 = arith.constant 0 : index
    %get3A_3 = arith.constant 0 : index
    %get3A_4 = vector.load %arg2[%get3A_2, %get3A_3] : memref<128x128xf32, #tpu.memory_space<vmem>>, vector<128x128xf32>
    %dot_general3A = arith.constant dense<0.000000e+00> : vector<2000x128xf32>
    %dot_general3A_5 = tpu.matmul %get3A_1, %get3A_4, %dot_general3A {dimension_numbers = #tpu.dot_dimension_numbers<[1], [0], [0], [1], [0, 0, 1, 1], [], []>, transpose_lhs_hint = false} : vector<2000x128xf32>, vector<128x128xf32>, vector<2000x128xf32> -> vector<2000x128xf32>
    %get3A_6 = arith.constant 0 : index
    %get3A_7 = arith.constant 0 : index
    %get3A_8 = vector.load %arg3[%get3A_6, %get3A_7] : memref<128x64xf32, #tpu.memory_space<vmem>>, vector<128x64xf32>
    %dot_general3A_9 = arith.constant dense<0.000000e+00> : vector<2000x64xf32>
    %dot_general3A_10 = tpu.matmul %dot_general3A_5, %get3A_8, %dot_general3A_9 {dimension_numbers = #tpu.dot_dimension_numbers<[1], [0], [0], [1], [0, 0, 1, 1], [], []>, transpose_lhs_hint = false} : vector<2000x128xf32>, vector<128x64xf32>, vector<2000x64xf32> -> vector<2000x64xf32>
    %get3A_11 = arith.constant 0 : index
    %get3A_12 = arith.constant 0 : index
    %get3A_13 = vector.load %arg4[%get3A_11, %get3A_12] : memref<1x64xf32, #tpu.memory_space<vmem>>, vector<1x64xf32>
    %add3A = vector.broadcast %get3A_13 : vector<1x64xf32> to vector<2000x64xf32>
    %add3A_14 = arith.addf %dot_general3A_10, %add3A : vector<2000x64xf32>
    %mul3A = arith.constant 5.000000e-01 : f32
    %mul3A_15 = vector.broadcast %mul3A : f32 to vector<2000x64xf32>
    %mul3A_16 = arith.mulf %mul3A_15, %add3A_14 : vector<2000x64xf32>
    %mul3A_17 = arith.constant 0.707106769 : f32
    %mul3A_18 = vector.broadcast %mul3A_17 : f32 to vector<2000x64xf32>
    %mul3A_19 = arith.mulf %add3A_14, %mul3A_18 : vector<2000x64xf32>
    %erf3A = math.erf %mul3A_19 : vector<2000x64xf32>
    %add3A_20 = arith.constant 1.000000e+00 : f32
    %add3A_21 = vector.broadcast %add3A_20 : f32 to vector<2000x64xf32>
    %add3A_22 = arith.addf %add3A_21, %erf3A : vector<2000x64xf32>
    %mul3A_23 = arith.mulf %mul3A_16, %add3A_22 : vector<2000x64xf32>
    %get3A_24 = arith.constant 0 : index
    %get3A_25 = arith.constant 0 : index
    %get3A_26 = vector.load %arg5[%get3A_24, %get3A_25] : memref<1x64xf32, #tpu.memory_space<vmem>>, vector<1x64xf32>
    %mul3A_27 = vector.broadcast %get3A_26 : vector<1x64xf32> to vector<2000x64xf32>
    %mul3A_28 = arith.mulf %mul3A_23, %mul3A_27 : vector<2000x64xf32>
    %reduce_sum3A = arith.constant dense<0.000000e+00> : vector<2000xf32>
    %reduce_sum3A_29 = vector.multi_reduction <add>, %mul3A_28, %reduce_sum3A [1] : vector<2000x64xf32> to vector<2000xf32>
    %broadcast_in_dim3A = vector.shape_cast %reduce_sum3A_29 : vector<2000xf32> to vector<2000x1xf32>
    %get3A_30 = arith.constant 0 : index
    %get3A_31 = arith.constant 0 : index
    %get3A_32 = vector.load %arg6[%get3A_30, %get3A_31] : memref<1x1xf32, #tpu.memory_space<vmem>>, vector<1x1xf32>
    %add3A_33 = vector.broadcast %get3A_32 : vector<1x1xf32> to vector<2000x1xf32>
    %add3A_34 = arith.addf %broadcast_in_dim3A, %add3A_33 : vector<2000x1xf32>
    %neg3A = arith.constant 0.000000e+00 : f32
    %neg3A_35 = vector.broadcast %neg3A : f32 to vector<2000x1xf32>
    %neg3A_36 = arith.subf %neg3A_35, %add3A_34 : vector<2000x1xf32>
    %exp3A = math.exp %neg3A_36 : vector<2000x1xf32>
    %add3A_37 = arith.constant 1.000000e+00 : f32
    %add3A_38 = vector.broadcast %add3A_37 : f32 to vector<2000x1xf32>
    %add3A_39 = arith.addf %add3A_38, %exp3A : vector<2000x1xf32>
    %div3A = arith.constant 1.000000e+00 : f32
    %div3A_40 = vector.broadcast %div3A : f32 to vector<2000x1xf32>
    %div3A_41 = arith.divf %div3A_40, %add3A_39 : vector<2000x1xf32>
    %swap3A = arith.constant 0 : index
    %swap3A_42 = arith.constant 0 : index
    %swap3A_43 = vector.load %arg7[%swap3A, %swap3A_42] : memref<2000x1xf32, #tpu.memory_space<vmem>>, vector<2000x1xf32>
    tpu.vector_store %arg7[%swap3A, %swap3A_42], %div3A_41 {strides = array<i32>} : memref<2000x1xf32, #tpu.memory_space<vmem>>, vector<2000x1xf32>,
    return
  }
  func.func @transform_0(%arg0: i32) -> (i32, i32) {
    %c0_i32 = arith.constant 0 : i32
    %c0_i32_0 = arith.constant 0 : i32
    return %arg0, %c0_i32 : i32, i32
  }
  func.func @transform_1(%arg0: i32) -> (i32, i32) {
    %c0_i32 = arith.constant 0 : i32
    %c0_i32_0 = arith.constant 0 : i32
    %c0_i32_1 = arith.constant 0 : i32
    return %c0_i32, %c0_i32_0 : i32, i32
  }
  func.func @transform_2(%arg0: i32) -> (i32, i32) {
    %c0_i32 = arith.constant 0 : i32
    %c0_i32_0 = arith.constant 0 : i32
    %c0_i32_1 = arith.constant 0 : i32
    return %c0_i32, %c0_i32_0 : i32, i32
  }
  func.func @transform_3(%arg0: i32) -> (i32, i32) {
    %c0_i32 = arith.constant 0 : i32
    %c0_i32_0 = arith.constant 0 : i32
    %c0_i32_1 = arith.constant 0 : i32
    return %c0_i32, %c0_i32_0 : i32, i32
  }
  func.func @transform_4(%arg0: i32) -> (i32, i32) {
    %c0_i32 = arith.constant 0 : i32
    %c0_i32_0 = arith.constant 0 : i32
    %c0_i32_1 = arith.constant 0 : i32
    return %c0_i32, %c0_i32_0 : i32, i32
  }
  func.func @transform_5(%arg0: i32) -> (i32, i32) {
    %c0_i32 = arith.constant 0 : i32
    %c0_i32_0 = arith.constant 0 : i32
    %c0_i32_1 = arith.constant 0 : i32
    return %c0_i32, %c0_i32_0 : i32, i32
  }
  func.func @transform_6(%arg0: i32) -> (i32, i32) {
    %c0_i32 = arith.constant 0 : i32
    %c0_i32_0 = arith.constant 0 : i32
    return %arg0, %c0_i32 : i32, i32
  }
}

module attributes {stable_mosaic.version = 14 : i64} {
  func.func @_tc_scale_body(%arg0: i32, %arg1: memref<2048x128xf32, #tpu.memory_space<vmem>>, %arg2: memref<128x128xf32, #tpu.memory_space<vmem>>, %arg3: memref<2048x1xf32, #tpu.memory_space<vmem>>, %arg4: memref<1x128xf32, #tpu.memory_space<vmem>>, %arg5: memref<2x2048xf32, #tpu.memory_space<vmem>>, %arg6: memref<2048x128xf32, #tpu.memory_space<vmem>>) attributes {dimension_semantics = [#tpu.dimension_semantics<parallel>], iteration_bounds = array<i64: 5>, scalar_prefetch = 0 : i64, scratch_operands = 0 : i64, tpu.core_type = #tpu.core_type<tc>, window_params = [{transform_indices = @transform_0, window_bounds = array<i64: 2048, 128>}, {pipeline_mode = #tpu.pipeline_mode<synchronous>, transform_indices = @transform_1, window_bounds = array<i64: 128, 128>}, {transform_indices = @transform_2, window_bounds = array<i64: 2048, 1>}, {pipeline_mode = #tpu.pipeline_mode<synchronous>, transform_indices = @transform_3, window_bounds = array<i64: 1, 128>}, {transform_indices = @transform_4, window_bounds = array<i64: 2, 2048>}, {transform_indices = @transform_5, window_bounds = array<i64: 2048, 128>}]} {
    %get3A = arith.constant 0 : index
    %get3A_0 = arith.constant 0 : index
    %get3A_1 = vector.load %arg1[%get3A, %get3A_0] : memref<2048x128xf32, #tpu.memory_space<vmem>>, vector<2048x128xf32>
    %get3A_2 = arith.constant 0 : index
    %get3A_3 = arith.constant 0 : index
    %get3A_4 = vector.load %arg2[%get3A_2, %get3A_3] : memref<128x128xf32, #tpu.memory_space<vmem>>, vector<128x128xf32>
    %dot_general3A = arith.constant dense<0.000000e+00> : vector<2048x128xf32>
    %dot_general3A_5 = tpu.matmul %get3A_1, %get3A_4, %dot_general3A {dimension_numbers = #tpu.dot_dimension_numbers<[1], [0], [0], [1], [0, 0, 1, 1], [], []>, transpose_lhs_hint = false} : vector<2048x128xf32>, vector<128x128xf32>, vector<2048x128xf32> -> vector<2048x128xf32>
    %get3A_6 = arith.constant 0 : index
    %get3A_7 = arith.constant 0 : index
    %get3A_8 = vector.load %arg5[%get3A_6, %get3A_7] : memref<2x2048xf32, #tpu.memory_space<vmem>>, vector<2x2048xf32>
    %reduce_max3A = arith.constant dense<0xFF800000> : vector<2048xf32>
    %reduce_max3A_9 = vector.multi_reduction <maximumf>, %get3A_8, %reduce_max3A [0] : vector<2x2048xf32> to vector<2048xf32>
    %broadcast_in_dim3A = vector.shape_cast %reduce_max3A_9 : vector<2048xf32> to vector<1x2048xf32>
    %transpose3A = tpu.transpose %broadcast_in_dim3A, [1, 0] : vector<1x2048xf32> -> vector<2048x1xf32>
    %gt3A = arith.constant 0.000000e+00 : f32
    %gt3A_10 = vector.broadcast %gt3A : f32 to vector<2048x1xf32>
    %gt3A_11 = arith.cmpf ogt, %transpose3A, %gt3A_10 : vector<2048x1xf32>
    %get3A_12 = arith.constant 0 : index
    %get3A_13 = arith.constant 0 : index
    %get3A_14 = vector.load %arg3[%get3A_12, %get3A_13] : memref<2048x1xf32, #tpu.memory_space<vmem>>, vector<2048x1xf32>
    %add3A = arith.constant 1.000000e+00 : f32
    %add3A_15 = vector.broadcast %add3A : f32 to vector<2048x1xf32>
    %add3A_16 = arith.addf %add3A_15, %get3A_14 : vector<2048x1xf32>
    %jit3A = arith.constant 0.000000e+00 : f32
    %broadcast_in_dim3A_17 = vector.broadcast %jit3A : f32 to vector<2048x1xf32>
    %select_n3A = arith.select %gt3A_11, %add3A_16, %broadcast_in_dim3A_17 : vector<2048x1xi1>, vector<2048x1xf32>
    %mul3A = vector.broadcast %select_n3A : vector<2048x1xf32> to vector<2048x128xf32>
    %mul3A_18 = arith.mulf %dot_general3A_5, %mul3A : vector<2048x128xf32>
    %get3A_19 = arith.constant 0 : index
    %get3A_20 = arith.constant 0 : index
    %get3A_21 = vector.load %arg4[%get3A_19, %get3A_20] : memref<1x128xf32, #tpu.memory_space<vmem>>, vector<1x128xf32>
    %add3A_22 = vector.broadcast %get3A_21 : vector<1x128xf32> to vector<2048x128xf32>
    %add3A_23 = arith.addf %mul3A_18, %add3A_22 : vector<2048x128xf32>
    %swap3A = arith.constant 0 : index
    %swap3A_24 = arith.constant 0 : index
    %swap3A_25 = vector.load %arg6[%swap3A, %swap3A_24] : memref<2048x128xf32, #tpu.memory_space<vmem>>, vector<2048x128xf32>
    tpu.vector_store %arg6[%swap3A, %swap3A_24], %add3A_23 {strides = array<i32>} : memref<2048x128xf32, #tpu.memory_space<vmem>>, vector<2048x128xf32>,
    return
  }
  func.func @transform_0(%arg0: i32) -> (i32, i32) {
    %c0_i32 = arith.constant 0 : i32
    %c0_i32_0 = arith.constant 0 : i32
    return %arg0, %c0_i32 : i32, i32
  }
  func.func @transform_1(%arg0: i32) -> (i32, i32) {
    %c0_i32 = arith.constant 0 : i32
    %c0_i32_0 = arith.constant 0 : i32
    %c0_i32_1 = arith.constant 0 : i32
    return %c0_i32, %c0_i32_0 : i32, i32
  }
  func.func @transform_2(%arg0: i32) -> (i32, i32) {
    %c0_i32 = arith.constant 0 : i32
    %c0_i32_0 = arith.constant 0 : i32
    return %arg0, %c0_i32 : i32, i32
  }
  func.func @transform_3(%arg0: i32) -> (i32, i32) {
    %c0_i32 = arith.constant 0 : i32
    %c0_i32_0 = arith.constant 0 : i32
    %c0_i32_1 = arith.constant 0 : i32
    return %c0_i32, %c0_i32_0 : i32, i32
  }
  func.func @transform_4(%arg0: i32) -> (i32, i32) {
    %c0_i32 = arith.constant 0 : i32
    %c0_i32_0 = arith.constant 0 : i32
    return %c0_i32, %arg0 : i32, i32
  }
  func.func @transform_5(%arg0: i32) -> (i32, i32) {
    %c0_i32 = arith.constant 0 : i32
    %c0_i32_0 = arith.constant 0 : i32
    return %arg0, %c0_i32 : i32, i32
  }
}

</mosaic_0001>

<sc_bundles>
// kernel: kernel.5.cloned.1.call-start
scs
__scs_entry_jumppad:
0x0: {  	(pc) =	sbr.rel $0x88, $3  }
0x1: {  	(tag) =	ssettag $0x0;
	lr =	simm.s32 $0x1  }
0x2: {  	[smem:$0x3F99] =	sst lr;
	_ =	strace $0xD0000000  }
0x3: {  	_ = 	snop  }
0x4: {  	_ = 	snop  }
0x5: {  	_ = 	snop  }
0x6: {  	_ = 	snop  }
0x7: {  	_ = 	snop  }
__scs_overlays_trampoline_lowered:
0x8: {  	[smem:$0x3FA8] =	sst s0  }
0x9: {  	[smem:$0x3FA9] =	sst s1  }
0xa: {  	[smem:$0x3FAA] =	sst s2  }
0xb: {  	[smem:$0x3FAB] =	sst s3  }
0xc: {  	[smem:$0x3FAC] =	sst s4  }
0xd: {  	[smem:$0x3FAD] =	sst s5  }
0xe: {  	[smem:$0x3FAE] =	sst s6  }
0xf: {  	[smem:$0x3FAF] =	sst s7  }
0x10: {  	[smem:$0x3FB0] =	sst s8  }
0x11: {  	[smem:$0x3FB1] =	sst s9;
	s0 =	simm.s32 @!p0 $0x0  }
0x12: {  	s1 =	sld [smem:$0x3F97];
	s0 =	simm.s32 @p0 $0x1  }
0x13: {  	[smem:$0x3FB2] =	sst s0;
	s0 =	simm.s32 @!p1 $0x0  }
0x14: {  	s2 =	sld [smem:$0x3F96];
	s0 =	simm.s32 @p1 $0x1  }
0x15: {  	[smem:$0x3FB3] =	sst s0;
	s0 =	simm.s32 @!p2 $0x0  }
0x16: {  	s3 =	sld [smem:$0x3FDB];
	s0 =	simm.s32 @p2 $0x1  }
0x17: {  	s4 =	simm.s32 $0x1BF5;
	[smem:$0x3FB5] =	sst s0  }
0x18: {  	s0 =	sld [smem:$0x3F98];
	_ =	swait.ge [sflag:s4], $0x0  }
0x19: {  	s7 =	sld [smem:$0x3F99]  }
0x1a: {  	s8 =	sadd.s32 $0xFFFFE003, lr  }
0x1b: {  	s9 =	sadd.s32 $0xFFFFFEF7, lr;
	s5 =	simm.s32 $0xFFFFFFFF;
	p2 =	slt.u32 s8, $0xFFFFF086  }
0x1c: {  	p1 =	slt.u32 s9, $0xF7A;
	s5 =	simm.s32 @!p2 $0x0  }
0x1d: {  	s5 =	simm.s32 @p1 $0x1;
	p0 =	seq.s32 s7, s2  }
0x1e: {  	s7 =	smul.u32 @!p0 $0xF7A, s2;
	p2 =	seq.s32 @!p0 s5, $0x0  }
0x1f: {  	s9 =	smul.u32 $0xF7A, s1;
	s8 =	simm.s32 @!p0 $0x1BF5;
	p2 =	por !p2, p0  }
0x20: {  	[sflag:s8] =	ssyncset.s32 @!p0 $0xFFFFF086;
	s6 =	sadd.s32 @!p0 s3, s7;
	s7 =	simm.s32 @!p0 $0x108  }
0x21: {  	s3 =	sadd.s32 s3, s9;
	s6 =	sadd.s32 @!p0 $0x88, s6;
	s7 =	simm.s32 @p2 $0x1082  }
0x22: {  	[simem:s7], [sflag:s8] =	dma.local @!p0 [hbm:s6], $0xF7A  }
0x23: {  	s9 =	sor.u32 $0xD0000000, s2;
	s6 =	simm.s32 $0x108;
	_ =	swait.ge @!p0 [sflag:s8], $0x0  }
0x24: {  	s3 =	sadd.s32 $0x88, s3;
	s6 =	simm.s32 @!p1 $0x1082;
	[sflag:s4] =	ssyncset.s32 $0xFFFFF086  }
0x25: {  	[simem:s6], [sflag:s4] =	dma.local [hbm:s3], $0xF7A  }
0x26: {  	[smem:$0x3F99] =	sst s1;
	(tag) =	ssettag s2;
	_ =	strace s9  }
0x27: {  	s1 =	sld [smem:$0x3FA9]  }
0x28: {  	s2 =	sld [smem:$0x3FAA]  }
0x29: {  	s4 =	sld [smem:$0x3FAC]  }
0x2a: {  	p0 =	seq.s32 s5, $0x0;
	s5 =	sld [smem:$0x3FAD]  }
0x2b: {  	s6 =	sld [smem:$0x3FAE]  }
0x2c: {  	s7 =	sld [smem:$0x3FAF]  }
0x2d: {  	s3 =	simm.s32 $0x108;
	s8 =	sld [smem:$0x3FB0]  }
0x2e: {  	s3 =	simm.s32 @!p0 $0x1082;
	s9 =	sld [smem:$0x3FB1]  }
0x2f: {  	lr =	sadd.s32 s0, s3;
	s0 =	sld [smem:$0x3FA8]  }
0x30: {  	s3 =	sld [smem:$0x3FAB]  }
0x31: {  	[smem:$0x3FB4] =	sst s10  }
0x32: {  	s10 =	sld [smem:$0x3FB2];
	_ =	sdelay $0x3  }
0x33: {  	p0 =	seq.s32 s10, $0x1;
	s10 =	sld [smem:$0x3FB4];
	_ =	sdelay $0x3  }
0x34: {  	[smem:$0x3FB4] =	sst s10  }
0x35: {  	s10 =	sld [smem:$0x3FB3];
	_ =	sdelay $0x3  }
0x36: {  	p1 =	seq.s32 s10, $0x1;
	s10 =	sld [smem:$0x3FB4];
	_ =	sdelay $0x3  }
0x37: {  	[smem:$0x3FB4] =	sst s10  }
0x38: {  	s10 =	sld [smem:$0x3FB5]  }
0x39: {  	_ = 	snop;
	(pc) =	sbr.ind lr, $3  }
0x3a: {  	_ = 	snop  }
0x3b: {  	_ = 	snop  }
0x3c: {  	p2 =	seq.s32 s10, $0x1;
	s10 =	sld [smem:$0x3FB4]  }
0x3d: {  	_ =	shalt  }
0x3e: {  	_ =	shalt  }
0x3f: {  	_ =	shalt  }
0x40: {  	_ =	shalt  }
0x41: {  	_ =	shalt  }
0x42: {  	_ =	shalt  }
0x43: {  	_ =	shalt  }
0x44: {  	_ =	shalt  }
0x45: {  	_ =	shalt  }
0x46: {  	_ =	shalt  }
0x47: {  	_ =	shalt  }
0x48: {  	_ =	shalt  }
0x49: {  	_ =	shalt  }
0x4a: {  	_ =	shalt  }
0x4b: {  	_ =	shalt  }
0x4c: {  	_ =	shalt  }
0x4d: {  	_ =	shalt  }
0x4e: {  	_ =	shalt  }
0x4f: {  	_ =	shalt  }
0x50: {  	_ =	shalt  }
0x51: {  	_ =	shalt  }
0x52: {  	_ =	shalt  }
0x53: {  	_ =	shalt  }
0x54: {  	_ =	shalt  }
0x55: {  	_ =	shalt  }
0x56: {  	_ =	shalt  }
0x57: {  	_ =	shalt  }
0x58: {  	_ =	shalt  }
0x59: {  	_ =	shalt  }
0x5a: {  	_ =	shalt  }
0x5b: {  	_ =	shalt  }
0x5c: {  	_ =	shalt  }
0x5d: {  	_ =	shalt  }
0x5e: {  	_ =	shalt  }
0x5f: {  	_ =	shalt  }
0x60: {  	_ =	shalt  }
0x61: {  	_ =	shalt  }
0x62: {  	_ =	shalt  }
0x63: {  	_ =	shalt  }
0x64: {  	_ =	shalt  }
0x65: {  	_ =	shalt  }
0x66: {  	_ =	shalt  }
0x67: {  	_ =	shalt  }
0x68: {  	_ =	shalt  }
0x69: {  	_ =	shalt  }
0x6a: {  	_ =	shalt  }
0x6b: {  	_ =	shalt  }
0x6c: {  	_ =	shalt  }
0x6d: {  	_ =	shalt  }
0x6e: {  	_ =	shalt  }
0x6f: {  	_ =	shalt  }
0x70: {  	_ =	shalt  }
0x71: {  	_ =	shalt  }
0x72: {  	_ =	shalt  }
0x73: {  	_ =	shalt  }
0x74: {  	_ =	shalt  }
0x75: {  	_ =	shalt  }
0x76: {  	_ =	shalt  }
0x77: {  	_ =	shalt  }
0x78: {  	_ =	shalt  }
0x79: {  	_ =	shalt  }
0x7a: {  	_ =	shalt  }
0x7b: {  	_ =	shalt  }
0x7c: {  	_ =	shalt  }
0x7d: {  	_ =	shalt  }
0x7e: {  	_ =	shalt  }
0x7f: {  	_ =	shalt  }
0x80: {  	_ =	shalt  }
0x81: {  	_ =	shalt  }
0x82: {  	_ =	shalt  }
0x83: {  	_ =	shalt  }
0x84: {  	_ =	shalt  }
0x85: {  	_ =	shalt  }
0x86: {  	_ =	shalt  }
0x87: {  	_ =	shalt  }
.Lfunc_end0:
.L_simem_size_0:
called_computation_lowered:
.L_overlay_start_0:
0x88: {  	s2 =	sld [smem:$0x3FD9]  }
0x89: {  	s3 =	sld [smem:$0x3FFE];
	_ =	sdelay $0x1  }
0x8a: {  	s1 =	srdreg.scid  }
0x8b: {  	s0 =	sand.u32 $0x1, s1  }
0x8c: {  	s17 =	sshll.u32 s0, $0xA;
	s2 =	sadd.s32 s3, s2  }
0x8d: {  	s2 =	sadd.s32 s2, s17  }
0x8e: {  	[smem:$0x3FC0] =	sst s2  }
0x8f: {  	_ = 	snop  }
0x90: {  	s2 =	sld [smem:$0x3FC8]  }
0x91: {  	s18 =	sld [smem:$0x3FD0];
	(tm) =	ssettm $0x1  }
0x92: {  	s4 =	sld [smem:$0x3FFB];
	_ =	sdelay $0x3  }
0x93: {  	_ =	strace s4  }
0x94: {  	s4 =	sld [smem:$0x3FFC];
	_ =	sdelay $0x3  }
0x95: {  	_ =	strace s4  }
0x96: {  	s4 =	sld [smem:$0x3FFD];
	_ =	sdelay $0x3  }
0x97: {  	_ =	strace s4  }
0x98: {  	_ =	strace $0x8FFFFFFF  }
0x99: {  	s19 =	sld [smem:$0x3FDB];
	_ =	sdelay $0x1  }
0x9a: {  	s5 =	simm.s32 $_scs_section_size  }
0x9b: {  	s6 =	simm.s32 $_size__tile_overlayer_lowered;
	s7 =	simm.s32 $_tile_overlayer_lowered  }
0x9c: {  	s22 =	simm.s32 $0x1BFF;
	s21 =	sshll.u32 s7, $0x1;
	s4 =	sadd.s32 s5, s19  }
0x9d: {  	s8 =	simm.s32 $0x0;
	s20 =	sshll.u32 s6, $0x1;
	s6 =	sadd.s32 s21, s4  }
0x9e: {  	[timem:s8], [sflag:s22] =	dma.local [hbm:s6], s20  }
0x9f: {  	_ =	swait.ge [sflag:s22], s20  }
0xa0: {  	s5 =	ssub.s32 $0x0, s20;
	[sflag:s22] =	ssyncset.done $0x0  }
0xa1: {  	[sflag:s22] =	ssyncadd.s32 s5;
	_ =	sdelay $0x1  }
0xa2: {  	s23 =	simm.s32 $0x1B8B  }
0xa3: {  	_ =	swait.ge [sflag:s23], $0x1  }
0xa4: {  	[sflag:s23] =	ssyncset.done $0x0  }
0xa5: {  	s25 =	simm.s32 $0x1B8E;
	s24 =	sld [smem:$0x3FFE];
	[sflag:s23] =	ssyncadd.s32 $0xFFFFFFFF  }
0xa6: {  	s26 =	simm.s32 $execute0_lowered;
	[smem:$0x3FD2] =	sst s25  }
0xa7: {  	s6 =	sshll.u32 s26, $0x1;
	_ =	strace $0x80000046;
	[dreg:$0x1] =	wrdreg $0xFFFFFFFF  }
0xa8: {  	s28 =	simm.s32 $_size_execute0_lowered;
	s4 =	sadd.s32 s4, s6;
	[dreg:$0x0] =	wrdreg $0x0  }
0xa9: {  	s6 =	sshll.u32 s28, $0x1;
	[dreg:$0x2] =	wrdreg s4  }
0xaa: {  	[dreg:$0x3] =	wrdreg s6  }
0xab: {  	[dreg:$0x4] =	wrdreg $0xC0  }
0xac: {  	_ =	task [dreg:s8], $0x5FFFF  }
0xad: {  	[dreg:$0x1] =	wrdreg $0xFFFFFFFF  }
0xae: {  	[dreg:$0x0] =	wrdreg $0x60  }
0xaf: {  	[dreg:$0x2] =	wrdreg s2  }
0xb0: {  	[dreg:$0x3] =	wrdreg s24  }
0xb1: {  	[dreg:$0x4] =	wrdreg s18  }
0xb2: {  	[dreg:$0x5] =	wrdreg $0xA1800  }
0xb3: {  	[dreg:$0x6] =	wrdreg $0x9  }
0xb4: {  	_ =	task.clear_ibuf [dreg:s8], $0x7FFFF;
	_ =	strace $0x90000046  }
0xb5: {  	s29 =	simm.s32 $0x9;
	_ =	strace $0x80000048  }
0xb6: {  	_ =	swait.ge [sflag:s29], $0x1  }
0xb7: {  	[sflag:s29] =	ssyncadd.s32 $0xFFFFFFFF  }
0xb8: {  	_ =	strace $0x90000048  }
0xb9: {  	_ =	sfence  }
0xba: {  	s30 =	sld [smem:$0x0];
	_ =	sdelay $0x2  }
0xbb: {  	s31 =	sshll.u32 s1, $0xD;
	s1 =	sshrl.u32 s1, $0x2  }
0xbc: {  	s3 =	sand.u32 $0x4000, s31;
	s1 =	sadd.s32 s1, s30  }
0xbd: {  	s0 =	sor.u32 s3, s0;
	s1 =	sshll.u32 s1, $0x11  }
0xbe: {  	s0 =	sor.u32 s1, s0  }
0xbf: {  	s0 =	sadd.s32 $0x8F2B, s0  }
0xc0: {  	[sflag:s0] =	ssyncadd.remote.s32 $0x1  }
0xc1: {  	_ =	sfence.sel $0xFFFF  }
0xc2: {  	[dreg:$0x0] =	wrdreg $0xFFFFFFFF;
	(pc) =	sbr.abs _section_cstart, $3  }
0xc3: {  	[dreg:$0x1] =	wrdreg $0xFFFFFFFF  }
0xc4: {  	_ =	task.clear_ibuf [dreg:s8], $0x2FFFF;
	_ =	strace $0x9FFFFFFF  }
0xc5: {  	(tm) =	ssettm $0x7FFFFFFF  }
tec
execute0_lowered:
.L_overlay_start_1:
0x0: {  	(tag) =	ssettag $0x1  }
0x1: {  	s0 =	rddreg [dreg:$0x0]  }
0x2: {  	s1 =	rddreg [dreg:$0x1]  }
0x3: {  	s7 =	rddreg [dreg:$0x2]  }
0x4: {  	s6 =	rddreg [dreg:$0x3]  }
0x5: {  	s3 =	srdreg.scid;
	s2 =	stileid.u32;
	s4 =	simm.s32 $0x0  }
0x6: {  	s18 =	simm.s32 $0x0;
	s5 =	sand.u32 $0x1, s3;
	s23 =	sshll.u32 s2, $0x1  }
0x7: {  	[smem:$0x7FF] =	sst s4;
	s1 =	sadd.s32 $0x1200, s1;
	s26 =	smul.u32 $0x5000, s2  }
0x8: {  	s8 =	sshrl.u32 s2, $0x3;
	s28 =	sshll.u32 s2, $0x7;
	s10 =	smul.u32 $0x500, s2  }
0x9: {  	s3 =	sor.u32 s5, s23;
	_ =	strace $0x80000047;
	[dreg:$0x5] =	wrdreg s1  }
0xa: {  	s25 =	ssub.s32 $0x2, s5;
	s5 =	sshll.u32 s5, $0x7;
	s24 =	smul.u32 $0x2780, s3  }
0xb: {  	s8 =	smul.u32 $0x50000, s8;
	s9 =	sshrl.u32 s25, $0x1;
	s10 =	sor.u32 s5, s10  }
0xc: {  	s1 =	ssub.s32 s25, s9;
	s9 =	sshrl.u32 s26, $0x2;
	s4 =	smin.u32 s24, $0x4BA80  }
0xd: {  	s8 =	sshrl.u32 s8, $0x2;
	s29 =	sadd.s32 s9, s6;
	s4 =	sshrl.u32 s4, $0x2  }
0xe: {  	s8 =	sadd.s32 s8, s6;
	[dreg:$0x8] =	wrdreg s29;
	s0 =	sadd.s32 s0, s4  }
0xf: {  	s31 =	smax.u32 s1, $0x1;
	[dreg:$0x6] =	wrdreg s0;
	s0 =	sand.u32 $0x380, s28  }
0x10: {  	s30 =	sshrl.u32 s10, $0x3;
	[dreg:$0xa] =	wrdreg s31;
	s0 =	sadd.s32 s0, s8  }
0x11: {  	s2 =	simm.s32 $0x80;
	[dreg:$0x7] =	wrdreg s0;
	s0 =	sadd.s32 s7, s30  }
0x12: {  	v0 =	vimm.f32 $1.000000000e+00;
	s10 =	simm.s32 $0x1;
	s9 =	simm.s32 $0x4F00;
	[dreg:$0x9] =	wrdreg s0  }
.LBB2_1:
0x13: {  	s0 =	simm.s32 $0x0;
	s1 =	rddreg [dreg:$0x5]  }
0x14: {  	[tilespmem:s9], [sflag:$0x1] =	stream.linear.gather [hbm4b:s1+s0], $0x2800, $0x38;
	[tilespmem:$0xC980] =	vst v63  }
0x15: {  	_ =	swait.ge [sflag:s10], $0x2800  }
0x16: {  	[sflag:s10] =	ssyncset.done $0x0  }
0x17: {  	s31 =	rddreg [dreg:$0x6];
	[sflag:s10] =	ssyncadd.s32 $0xFFFFD800  }
0x18: {  	[tilespmem:s0], [sflag:$0x1] =	stream.linear.gather [hbm4b:s31+s0], $0x4F00, $0x38;
	[tilespmem:$0xC980] =	vst v63  }
0x19: {  	_ =	swait.ge [sflag:s10], $0x4F00  }
0x1a: {  	[sflag:s10] =	ssyncset.done $0x0  }
0x1b: {  	s1 =	simm.s32 $0x40;
	s0 =	simm.s32 $0xFFFFFFF8;
	[sflag:s10] =	ssyncadd.s32 $0xFFFFB100  }
.LBB2_2:
0x1c: {  	v1 =	vld [tilespmem:s1+$0xFFFFFFC0];
	_ =	sdelay $0x7  }
0x1d: {  	[tilespmem:v1+s9+$0x0] =	vst.idx.msk $0xffff, v0  }
0x1e: {  	v1 =	vld [tilespmem:s1+$0xFFFFFFD0];
	_ =	sdelay $0x7  }
0x1f: {  	[tilespmem:v1+s9+$0x0] =	vst.idx.msk $0xffff, v0  }
0x20: {  	v1 =	vld [tilespmem:s1+$0xFFFFFFE0];
	_ =	sdelay $0x7  }
0x21: {  	[tilespmem:v1+s9+$0x0] =	vst.idx.msk $0xffff, v0  }
0x22: {  	v1 =	vld [tilespmem:s1+$0xFFFFFFF0];
	_ =	sdelay $0x7  }
0x23: {  	[tilespmem:v1+s9+$0x0] =	vst.idx.msk $0xffff, v0  }
0x24: {  	v1 =	vld [tilespmem:s1+$0x0];
	_ =	sdelay $0x7  }
0x25: {  	[tilespmem:v1+s9+$0x0] =	vst.idx.msk $0xffff, v0  }
0x26: {  	v1 =	vld [tilespmem:s1+$0x10];
	_ =	sdelay $0x7  }
0x27: {  	[tilespmem:v1+s9+$0x0] =	vst.idx.msk $0xffff, v0  }
0x28: {  	v1 =	vld [tilespmem:s1+$0x20];
	_ =	sdelay $0x7  }
0x29: {  	[tilespmem:v1+s9+$0x0] =	vst.idx.msk $0xffff, v0  }
0x2a: {  	v1 =	vld [tilespmem:s1+$0x30];
	_ =	sdelay $0x1  }
0x2b: {  	s0 =	sadd.s32 $0x8, s0  }
0x2c: {  	p0 =	slt.u32 s0, $0x270  }
.Ltmp0:
0x2d: {  	_ = 	snop;
	(pc) =	sbr.rel @p0 .LBB2_2-.Ltmp0, $2  }
0x2e: {  	_ =	sdelay $0x2  }
0x2f: {  	s1 =	sadd.s32 $0x100, s1;
	[tilespmem:v1+s9+$0x0] =	vst.idx.msk $0xffff, v0  }
0x30: {  	s0 =	rddreg [dreg:$0x7];
	s1 =	simm.s32 $0x400  }
0x31: {  	[spmem:s0] =	stream.strided.scatter [tilespmem:s9], [sflag:$0x1], $0x2800, s1, s2, $0x38;
	[tilespmem:$0xC980] =	vst v63  }
0x32: {  	_ =	swait.ge [sflag:s10], $0x2800  }
0x33: {  	[sflag:s10] =	ssyncset.done $0x0  }
0x34: {  	[sflag:s10] =	ssyncadd.s32 $0xFFFFD800  }
0x35: {  	s4 =	simm.s32 $0x14000;
	s3 =	simm.s32 $0x7700;
	[bflag:$0x0] =	sbarrier.arrive $0xFFFF  }
0x36: {  	s19 =	simm.s32 $0x0;
	s2 =	simm.s32 $0x1400;
	s1 =	rddreg [dreg:$0x8]  }
0x37: {  	[tilespmem:s3], [sflag:$0x1] =	stream.strided.gather [spmem:s1], $0x2800, s4, s2, $0x38;
	[tilespmem:$0xC980] =	vst v63  }
0x38: {  	s5 =	sand.u32 $0x1C00, s19;
	_ =	swait.ge [sflag:s10], $0x2800  }
0x39: {  	s6 =	sand.u32 $0x60, s19;
	s12 =	sadd.s32 $0x7700, s5;
	[sflag:s10] =	ssyncset.done $0x0  }
0x3a: {  	s20 =	sor.u32 s6, s12;
	[sflag:s10] =	ssyncadd.s32 $0xFFFFD800  }
0x3b: {  	v1 =	vld [tilespmem:s20+$0x0]  }
0x3c: {  	v2 =	vld [tilespmem:s20+$0x80]  }
0x3d: {  	v3 =	vld [tilespmem:s20+$0x100]  }
0x3e: {  	v4 =	vld [tilespmem:s20+$0x180]  }
0x3f: {  	v5 =	vld [tilespmem:s20+$0x200]  }
0x40: {  	v6 =	vld [tilespmem:s20+$0x280]  }
0x41: {  	s21 =	sadd.s32 $0x8B00, s5;
	v1 =	vmax.f32 v1, v2;
	v2 =	vld [tilespmem:s20+$0x300]  }
0x42: {  	s23 =	sadd.s32 $0x8B80, s5;
	s22 =	sor.u32 s6, s21;
	v1 =	vmax.f32 v1, v3;
	v3 =	vld [tilespmem:s20+$0x380]  }
0x43: {  	s24 =	sadd.s32 $0x8C00, s5;
	s7 =	sor.u32 s6, s23;
	v1 =	vmax.f32 v1, v4;
	v4 =	vld [tilespmem:s22+$0x0]  }
0x44: {  	s8 =	sadd.s32 $0x8C80, s5;
	s25 =	sor.u32 s6, s24;
	v1 =	vmax.f32 v1, v5;
	v5 =	vld [tilespmem:s7+$0x0]  }
0x45: {  	s26 =	sadd.s32 $0x8D00, s5;
	s11 =	sor.u32 s6, s8;
	v1 =	vmax.f32 v1, v6;
	v6 =	vld [tilespmem:s25+$0x0]  }
0x46: {  	s28 =	sadd.s32 $0x8D80, s5;
	s13 =	sor.u32 s6, s26;
	v1 =	vmax.f32 v1, v2;
	v2 =	vld [tilespmem:s11+$0x0]  }
0x47: {  	s29 =	sadd.s32 $0x8E00, s5;
	s14 =	sor.u32 s6, s28;
	v7 =	vld [tilespmem:s13+$0x0];
	v1 =	vmax.f32 v1, v3  }
0x48: {  	s0 =	sadd.s32 $0x8E80, s5;
	s15 =	sor.u32 s6, s29;
	v3 =	vld [tilespmem:s14+$0x0];
	v1 =	vmax.f32 v1, v4  }
0x49: {  	s16 =	sor.u32 s6, s0;
	v4 =	vld [tilespmem:s15+$0x0];
	v1 =	vmax.f32 v1, v5  }
0x4a: {  	v5 =	vld [tilespmem:s16+$0x0];
	v1 =	vmax.f32 v1, v6  }
0x4b: {  	v1 =	vmax.f32 v1, v2  }
0x4c: {  	v1 =	vmax.f32 v1, v7  }
0x4d: {  	v1 =	vmax.f32 v1, v3  }
0x4e: {  	v1 =	vmax.f32 v1, v4  }
0x4f: {  	s17 =	simm.s32 $0x9F00;
	s20 =	sor.u32 $0x10, s6;
	v1 =	vmax.f32 v1, v5  }
0x50: {  	s1 =	sor.u32 s20, s12;
	[tilespmem:s17+$0x0] =	vst v1  }
0x51: {  	v1 =	vld [tilespmem:s1+$0x0]  }
0x52: {  	v2 =	vld [tilespmem:s1+$0x80]  }
0x53: {  	v3 =	vld [tilespmem:s1+$0x100]  }
0x54: {  	v4 =	vld [tilespmem:s1+$0x180]  }
0x55: {  	v5 =	vld [tilespmem:s1+$0x200]  }
0x56: {  	v6 =	vld [tilespmem:s1+$0x280]  }
0x57: {  	v1 =	vmax.f32 v1, v2;
	v2 =	vld [tilespmem:s1+$0x300]  }
0x58: {  	s21 =	sor.u32 s20, s21;
	v7 =	vld [tilespmem:s1+$0x380];
	v1 =	vmax.f32 v1, v3  }
0x59: {  	s23 =	sor.u32 s20, s23;
	v8 =	vld [tilespmem:s21+$0x0];
	v1 =	vmax.f32 v1, v4  }
0x5a: {  	s24 =	sor.u32 s20, s24;
	v4 =	vld [tilespmem:s23+$0x0];
	v1 =	vmax.f32 v1, v5  }
0x5b: {  	s25 =	sor.u32 s20, s8;
	v5 =	vld [tilespmem:s24+$0x0];
	v1 =	vmax.f32 v1, v6  }
0x5c: {  	v6 =	vld [tilespmem:s25+$0x0];
	v1 =	vmax.f32 v1, v2  }
0x5d: {  	s26 =	sor.u32 s20, s26;
	v1 =	vmax.f32 v1, v7  }
0x5e: {  	s30 =	sor.u32 s20, s28;
	v3 =	vld [tilespmem:s26+$0x0];
	v2 =	vmax.f32 v1, v8  }
0x5f: {  	s31 =	sor.u32 s20, s29;
	v1 =	vld [tilespmem:s30+$0x0];
	v2 =	vmax.f32 v2, v4  }
0x60: {  	s0 =	sor.u32 s20, s0;
	s22 =	simm.s32 $0x20;
	v4 =	vld [tilespmem:s31+$0x0];
	v5 =	vmax.f32 v2, v5  }
0x61: {  	s21 =	simm.s32 $0x0;
	s23 =	simm.s32 $0x9F20;
	s24 =	sand.u32 $0x380, s19;
	v2 =	vld [tilespmem:s0+$0x0];
	v5 =	vmax.f32 v5, v6  }
.LBB2_4:
0x62: {  	s0 =	sand.u32 $0x380, s22;
	s21 =	sadd.s32 $0x2, s21;
	s19 =	sadd.s32 $0x100, s19  }
0x63: {  	v3 =	vmax.f32 v5, v3;
	s12 =	sor.u32 s20, s24;
	s1 =	sand.u32 $0x1C00, s19;
	p0 =	slt.u32 s21, $0x26  }
0x64: {  	s20 =	sand.u32 $0x60, s22;
	v1 =	vmax.f32 v3, v1;
	s25 =	sadd.s32 $0x7700, s1;
	s26 =	sadd.s32 $0x8B00, s1  }
0x65: {  	s28 =	sadd.s32 $0x8B80, s1;
	v1 =	vmax.f32 v1, v4;
	s13 =	sor.u32 s20, s25;
	s14 =	sor.u32 s20, s26  }
0x66: {  	s29 =	sadd.s32 $0x8C00, s1;
	s30 =	sadd.s32 $0x8C80, s1;
	s15 =	sor.u32 s20, s28;
	v1 =	vmax.f32 v1, v2  }
0x67: {  	s2 =	sadd.s32 $0x8D00, s1;
	s16 =	sor.u32 s20, s29;
	s17 =	sor.u32 s20, s30;
	[tilespmem:s12+$0x9F00] =	vst v1  }
0x68: {  	s4 =	sadd.s32 $0x8D80, s1;
	s5 =	sadd.s32 $0x8E00, s1;
	s3 =	sor.u32 s20, s2;
	v1 =	vld [tilespmem:s13+$0x0]  }
0x69: {  	s7 =	sadd.s32 $0x8E80, s1;
	s6 =	sor.u32 s20, s4;
	s11 =	sor.u32 s20, s5;
	v2 =	vld [tilespmem:s13+$0x80]  }
0x6a: {  	s24 =	smov.u32 s0;
	s8 =	sor.u32 s20, s7;
	s20 =	sor.u32 $0x10, s20;
	v3 =	vld [tilespmem:s13+$0x100]  }
0x6b: {  	s1 =	sor.u32 s20, s28;
	s31 =	sor.u32 s20, s29;
	s12 =	sor.u32 s20, s26;
	v4 =	vld [tilespmem:s13+$0x180]  }
0x6c: {  	s0 =	sor.u32 s20, s30;
	s30 =	sor.u32 s20, s2;
	s28 =	sor.u32 s20, s4;
	v5 =	vld [tilespmem:s13+$0x200]  }
0x6d: {  	s29 =	sor.u32 s20, s5;
	s26 =	sor.u32 s20, s7;
	v6 =	vld [tilespmem:s13+$0x280]  }
0x6e: {  	v1 =	vmax.f32 v1, v2;
	v2 =	vld [tilespmem:s13+$0x300]  }
0x6f: {  	v1 =	vmax.f32 v1, v3;
	v3 =	vld [tilespmem:s13+$0x380]  }
0x70: {  	v1 =	vmax.f32 v1, v4;
	v4 =	vld [tilespmem:s14+$0x0]  }
0x71: {  	v1 =	vmax.f32 v1, v5;
	v5 =	vld [tilespmem:s15+$0x0]  }
0x72: {  	v1 =	vmax.f32 v1, v6;
	v6 =	vld [tilespmem:s16+$0x0]  }
0x73: {  	v1 =	vmax.f32 v1, v2;
	v2 =	vld [tilespmem:s17+$0x0]  }
0x74: {  	v1 =	vmax.f32 v1, v3;
	v3 =	vld [tilespmem:s3+$0x0]  }
0x75: {  	v1 =	vmax.f32 v1, v4;
	v4 =	vld [tilespmem:s6+$0x0]  }
0x76: {  	v1 =	vmax.f32 v1, v5;
	v5 =	vld [tilespmem:s11+$0x0]  }
0x77: {  	v1 =	vmax.f32 v1, v6;
	v6 =	vld [tilespmem:s8+$0x0]  }
0x78: {  	v1 =	vmax.f32 v1, v2  }
0x79: {  	v1 =	vmax.f32 v1, v3  }
0x7a: {  	v1 =	vmax.f32 v1, v4  }
0x7b: {  	v1 =	vmax.f32 v1, v5  }
0x7c: {  	v1 =	vmax.f32 v1, v6  }
0x7d: {  	s2 =	sor.u32 s20, s25;
	[tilespmem:s23+$0x0] =	vst v1  }
0x7e: {  	v1 =	vld [tilespmem:s2+$0x0]  }
0x7f: {  	v2 =	vld [tilespmem:s2+$0x80]  }
0x80: {  	v3 =	vld [tilespmem:s2+$0x100]  }
0x81: {  	v4 =	vld [tilespmem:s2+$0x180]  }
0x82: {  	v5 =	vld [tilespmem:s2+$0x200]  }
0x83: {  	v6 =	vld [tilespmem:s2+$0x280]  }
0x84: {  	v1 =	vmax.f32 v1, v2;
	v2 =	vld [tilespmem:s2+$0x300]  }
0x85: {  	v1 =	vmax.f32 v1, v3;
	v3 =	vld [tilespmem:s2+$0x380]  }
0x86: {  	v1 =	vmax.f32 v1, v4;
	v4 =	vld [tilespmem:s12+$0x0]  }
0x87: {  	v1 =	vmax.f32 v1, v5;
	v5 =	vld [tilespmem:s1+$0x0]  }
0x88: {  	v1 =	vmax.f32 v1, v6;
	v6 =	vld [tilespmem:s31+$0x0]  }
0x89: {  	v1 =	vmax.f32 v1, v2;
	v7 =	vld [tilespmem:s0+$0x0]  }
.Ltmp1:
0x8a: {  	v1 =	vmax.f32 v1, v3;
	v3 =	vld [tilespmem:s30+$0x0];
	(pc) =	sbr.rel @p0 .LBB2_4-.Ltmp1, $4  }
0x8b: {  	v2 =	vmax.f32 v1, v4;
	v1 =	vld [tilespmem:s28+$0x0]  }
0x8c: {  	v2 =	vmax.f32 v2, v5;
	v4 =	vld [tilespmem:s29+$0x0]  }
0x8d: {  	v5 =	vmax.f32 v2, v6;
	v2 =	vld [tilespmem:s26+$0x0]  }
0x8e: {  	s22 =	sadd.s32 $0x20, s22;
	s23 =	sadd.s32 $0x20, s23;
	v5 =	vmax.f32 v5, v7  }
0x8f: {  	v3 =	vmax.f32 v5, v3  }
0x90: {  	v1 =	vmax.f32 v3, v1  }
0x91: {  	v1 =	vmax.f32 v1, v4  }
0x92: {  	s0 =	sor.u32 s20, s24;
	s30 =	rddreg [dreg:$0x9];
	v1 =	vmax.f32 v1, v2  }
0x93: {  	s2 =	simm.s32 $0x80;
	s1 =	simm.s32 $0x100;
	s3 =	simm.s32 $0x9F00;
	[tilespmem:s0+$0x9F00] =	vst v1  }
0x94: {  	[hbm4b:s30+s2] =	stream.strided.scatter [tilespmem:s3], [sflag:$0x1], $0x280, s1, s2, $0x38;
	[tilespmem:$0xC980] =	vst v63  }
0x95: {  	_ =	swait.ge [sflag:s10], $0x280  }
0x96: {  	s18 =	sadd.s32 $0x1, s18;
	s31 =	rddreg [dreg:$0xa]  }
0x97: {  	p0 =	sne.s32 s18, s31  }
.Ltmp2:
0x98: {  	_ = 	snop;
	(pc) =	sbr.rel @p0 .LBB2_1-.Ltmp2, $3  }
0x99: {  	_ =	sdelay $0x1  }
0x9a: {  	[sflag:s10] =	ssyncset.done $0x0  }
0x9b: {  	[sflag:s10] =	ssyncadd.s32 $0xFFFFFD80  }
0x9c: {  	_ =	sfence.sel $0x180000  }
0x9d: {  	[bflag:$0x0] =	sbarrier.arrive $0xFFFF  }
0x9e: {  	_ =	strace $0x90000047  }
0x9f: {  	s0 =	stileid.u32;
	[bflag:$0x2] =	sbarrier.arrive $0xFFFF  }
0xa0: {  	p0 =	sne.s32 s0, $0x0;
	s0 =	rddreg [dreg:$0x4]  }
0xa1: {  	s0 =	sadd.s32 @!p0 $0x100000, s0  }
0xa2: {  	[sflag:s0] =	ssyncadd.tile.s32 @!p0 $0x1;
	_ =	shalt  }
.Lfunc_end2:
_tile_overlayer_lowered:
.L_overlay_start_2:
0xa3: {  	(tag) =	ssettag $0x2  }
0xa4: {  	s0 =	rddreg [dreg:$0x0];
	s2 =	stileid.u32  }
0xa5: {  	s1 =	rddreg [dreg:$0x1];
	p0 =	sne.s32 s2, $0x0  }
0xa6: {  	s3 =	rddreg [dreg:$0x2];
	[bflag:$0x3] =	sbarrier.arrive $0xFFFF;
	s2 =	simm.s32 @!p0 $0x1C01  }
0xa7: {  	[timem:s3], [sflag:s2] =	dma.local @!p0 [hbm:s0], s1  }
0xa8: {  	s0 =	simm.s32 @!p0 $0x1  }
0xa9: {  	_ =	swait.ge @!p0 [sflag:s0], s1  }
0xaa: {  	s1 =	ssub.s32 @!p0 $0x0, s1;
	[sflag:s0] =	ssyncset.done @!p0 $0x0  }
0xab: {  	[sflag:s0] =	ssyncadd.s32 @!p0 s1  }
0xac: {  	[bflag:$0x3] =	sbarrier.arrive $0xFFFF  }
0xad: {  	_ =	shalt  }

</sc_bundles>
